<compile_context>
chip_gen: v7x
topology: tpu7x:2x2x1
jax: 0.10.2.dev20260603
libtpu: 0.0.44.dev20260713+nightly
codegen_flags: <defaults>
</compile_context>

<pallas_src>
import functools

import jax
import jax.numpy as jnp
from jax import lax
from jax.experimental import pallas as pl
from jax.experimental.pallas import tpu as pltpu
from jax.experimental.pallas import tpu_sc as plsc

N = 65536
K = 1024
D = 64
BT = 1024
GRID = N // BT
COMMITMENT_COST = 0.25

NW = 32
BPW = N // NW
CH = 128
NCH = BPW // CH


def _tc_body(z_ref, cb_ref, idx_ref, loss_ref, plex_ref,
             counts_acc, e2_acc, iota_acc, msum_acc):
    step = pl.program_id(0)
    zb = z_ref[...]
    cb = cb_ref[...]

    @pl.when(step == 0)
    def _init():
        e2_acc[...] = jnp.sum(cb * cb, axis=1)[None, :]
        iota_acc[...] = lax.broadcasted_iota(
            jnp.int32, (1, K), 1).astype(jnp.float32)
        counts_acc[...] = jnp.zeros_like(counts_acc)
        msum_acc[0, 0] = 0.0

    z2 = jnp.sum(zb * zb, axis=1, keepdims=True)
    mm2 = lax.dot_general(zb + zb, cb, (((1,), (1,)), ((), ())))
    d = (z2 + e2_acc[...]) - mm2
    dmin = jnp.min(d, axis=1, keepdims=True)
    mask = d <= dmin
    idxf = jnp.min(jnp.where(mask, iota_acc[...], jnp.float32(K)),
                   axis=1, keepdims=True)
    idx_ref[...] = idxf.astype(jnp.int32)
    counts_acc[...] += jnp.sum(mask.astype(jnp.float32), axis=0, keepdims=True)
    msum_acc[0, 0] += jnp.sum(dmin)

    @pl.when(step == GRID - 1)
    def _finalize():
        ql = msum_acc[0, 0] / jnp.float32(N * D)
        loss_ref[...] = jnp.stack([COMMITMENT_COST * ql, ql]).reshape(1, 2)
        p = counts_acc[0, :] * jnp.float32(1.0 / N)
        plex = jnp.exp(-jnp.sum(p * jnp.log(p + 1e-10)))
        plex_ref[...] = plex.reshape(1, 1)


def _tc_call(z, codebook):
    return pl.pallas_call(
        _tc_body,
        grid=(GRID,),
        in_specs=[
            pl.BlockSpec((BT, D), lambda i: (i, 0)),
            pl.BlockSpec((K, D), lambda i: (0, 0)),
        ],
        out_specs=[
            pl.BlockSpec((BT, 1), lambda i: (i, 0)),
            pl.BlockSpec((1, 2), lambda i: (0, 0)),
            pl.BlockSpec((1, 1), lambda i: (0, 0)),
        ],
        out_shape=[
            jax.ShapeDtypeStruct((N, 1), jnp.int32),
            jax.ShapeDtypeStruct((1, 2), jnp.float32),
            jax.ShapeDtypeStruct((1, 1), jnp.float32),
        ],
        scratch_shapes=[
            pltpu.VMEM((1, K), jnp.float32),
            pltpu.VMEM((1, K), jnp.float32),
            pltpu.VMEM((1, K), jnp.float32),
            pltpu.SMEM((1, 1), jnp.float32),
        ],
    )(z, codebook)


def _sc_gather_body(cb_hbm, idx_hbm, out_hbm, idx_v, buf0, buf1,
                    sem0, sem1, ssem0, ssem1):
    wid = lax.axis_index("s") * 2 + lax.axis_index("c")
    base = wid * BPW
    pltpu.sync_copy(idx_hbm.at[pl.ds(base, BPW)], idx_v)
    bufs = (buf0, buf1)
    sems = (sem0, sem1)
    ssems = (ssem0, ssem1)
    cps = [None, None]
    stcps = [None, None]
    cps[0] = pltpu.async_copy(cb_hbm.at[idx_v.at[pl.ds(0, CH)]], buf0, sem0)
    for c in range(NCH):
        nxt = c + 1
        if nxt < NCH:
            if nxt >= 2:
                stcps[nxt % 2].wait()
            cps[nxt % 2] = pltpu.async_copy(
                cb_hbm.at[idx_v.at[pl.ds(nxt * CH, CH)]],
                bufs[nxt % 2], sems[nxt % 2])
        cps[c % 2].wait()
        stcps[c % 2] = pltpu.async_copy(
            bufs[c % 2], out_hbm.at[pl.ds(base + c * CH, CH)], ssems[c % 2])
    stcps[(NCH - 2) % 2].wait()
    stcps[(NCH - 1) % 2].wait()


@functools.cache
def _sc_gather():
    return pl.kernel(
        _sc_gather_body,
        mesh=plsc.VectorSubcoreMesh(core_axis_name="c", subcore_axis_name="s"),
        compiler_params=pltpu.CompilerParams(use_tc_tiling_on_sc=False),
        out_type=jax.ShapeDtypeStruct((N, D), jnp.float32),
        scratch_types=[
            pltpu.VMEM((BPW,), jnp.int32),
            pltpu.VMEM((CH, D), jnp.float32),
            pltpu.VMEM((CH, D), jnp.float32),
            pltpu.SemaphoreType.DMA,
            pltpu.SemaphoreType.DMA,
            pltpu.SemaphoreType.DMA,
            pltpu.SemaphoreType.DMA,
        ],
    )


def kernel(z, codebook):
    idx_col, losses, plex = _tc_call(z, codebook)
    idx = idx_col.reshape(N)
    quantized = _sc_gather()(codebook, idx)
    commitment_loss = losses[0, 0]
    q_latent_loss = losses[0, 1]
    perplexity = plex[0, 0]
    return quantized, commitment_loss, q_latent_loss, perplexity, idx

# --- scband reference (transcript-rebuilt; emitter-appended) ---
"""Pipeline reference for scband-vqvae-38010460569603 (READ-ONLY COPY).

The authoritative reference and input builder live on the scoring server;
editing this copy changes nothing except your own understanding.
"""

import jax, jax.numpy as jnp
import numpy as np

N_TOKENS = 65536
CODEBOOK_SIZE = 1024
EMB_DIM = 64
COMMITMENT_COST = 0.25


def setup_inputs(seed: int = 0) -> dict:
    key = jax.random.key(seed)
    k1, k2 = jax.random.split(key)
    z = jax.random.normal(k1, (N_TOKENS, EMB_DIM), dtype=jnp.float32)
    # learned codebook (nn.Embedding weight in the torch Quantizer)
    codebook = jax.random.normal(k2, (CODEBOOK_SIZE, EMB_DIM), dtype=jnp.float32) * 0.02
    return {"z": z, "codebook": codebook}


def reference(z, codebook):
    # squared L2 distances ||z - e||^2 = ||z||^2 + ||e||^2 - 2 z e^T
    distances = (
        jnp.sum(z ** 2, axis=1, keepdims=True)
        + jnp.sum(codebook ** 2, axis=1)[None, :]
        - 2.0 * (z @ codebook.T)
    )
    encoding_indices = jnp.argmin(distances, axis=1)
    # codebook gather (SparseCore-friendly embedding lookup)
    quantized = jnp.take(codebook, encoding_indices, axis=0)
    # VQ losses
    commitment_loss = COMMITMENT_COST * jnp.mean(
        (jax.lax.stop_gradient(quantized) - z) ** 2
    )
    q_latent_loss = jnp.mean((quantized - jax.lax.stop_gradient(z)) ** 2)
    # perplexity of codebook usage
    counts = jnp.bincount(encoding_indices, length=CODEBOOK_SIZE)
    probs = counts.astype(jnp.float32) / z.shape[0]
    perplexity = jnp.exp(-jnp.sum(probs * jnp.log(probs + 1e-10)))
    # straight-through estimator
    quantized_st = z + jax.lax.stop_gradient(quantized - z)
    return quantized_st, commitment_loss, q_latent_loss, perplexity, encoding_indices

if __name__ == "__main__":
    import jax
    _d = setup_inputs()
    print(jax.jit(kernel)(*tuple(_d.values())))

</pallas_src>

<mosaic_0001>
#map = affine_map<(d0, d1) -> (0, 0)>
#map1 = affine_map<(d0, d1) -> (0)>
module attributes {stable_mosaic.version = 14 : i64} {
  func.func @_sc_gather_body(%arg0: i32, %arg1: i32, %arg2: memref<1024x64xf32, #tpu.memory_space<hbm>>, %arg3: memref<65536xi32, #tpu.memory_space<hbm>>, %arg4: memref<65536x64xf32, #tpu.memory_space<hbm>>, %arg5: memref<2048xi32, #tpu.memory_space<vmem>>, %arg6: memref<128x64xf32, #tpu.memory_space<vmem>>, %arg7: memref<128x64xf32, #tpu.memory_space<vmem>>, %arg8: memref<!tpu.dma_semaphore, #tpu.memory_space<semaphore_mem>>, %arg9: memref<!tpu.dma_semaphore, #tpu.memory_space<semaphore_mem>>, %arg10: memref<!tpu.dma_semaphore, #tpu.memory_space<semaphore_mem>>, %arg11: memref<!tpu.dma_semaphore, #tpu.memory_space<semaphore_mem>>) attributes {dimension_semantics = [#tpu.dimension_semantics<core_parallel>, #tpu.dimension_semantics<subcore_parallel>], iteration_bounds = array<i64: 2, 16>, scalar_prefetch = 0 : i64, scratch_operands = 7 : i64, tpu.core_type = #tpu.core_type<sc_vector_subcore>, window_params = [{transform_indices = #map}, {transform_indices = #map1}, {transform_indices = #map}]} {
    %mul3A = arith.constant 2 : i32
    %mul3A_0 = arith.muli %arg1, %mul3A : i32
    %add3A = arith.addi %mul3A_0, %arg0 : i32
    %mul3A_1 = arith.constant 2048 : i32
    %mul3A_2 = arith.muli %add3A, %mul3A_1 : i32
    "tpu.region"() ({
      %run_scoped3A = tpu.sem_alloc : memref<!tpu.dma_semaphore, #tpu.memory_space<semaphore_mem>>
      %dma_start3A_321 = tpu.memref_slice %arg3[%mul3A_2] : memref<65536xi32, #tpu.memory_space<hbm>> -> memref<2048xi32, #tpu.memory_space<hbm>>
      %dma_start3A_322 = tpu.memref_slice %arg3[%mul3A_2] : memref<65536xi32, #tpu.memory_space<hbm>> -> memref<2048xi32, #tpu.memory_space<hbm>>
      tpu.enqueue_dma source(%dma_start3A_322 : memref<2048xi32, #tpu.memory_space<hbm>>) target(%arg5 : memref<2048xi32, #tpu.memory_space<vmem>>) target_semaphore(%run_scoped3A : memref<!tpu.dma_semaphore, #tpu.memory_space<semaphore_mem>>)
      %dma_wait3A_323 = tpu.memref_slice %arg3[%mul3A_2] : memref<65536xi32, #tpu.memory_space<hbm>> -> memref<2048xi32, #tpu.memory_space<hbm>>
      %dma_wait3A_324 = tpu.memref_slice %arg3[%mul3A_2] : memref<65536xi32, #tpu.memory_space<hbm>> -> memref<2048xi32, #tpu.memory_space<hbm>>
      tpu.wait_dma2 semaphore(%run_scoped3A : memref<!tpu.dma_semaphore, #tpu.memory_space<semaphore_mem>>) src(%dma_wait3A_324 : memref<2048xi32, #tpu.memory_space<hbm>>) dst(%arg5 : memref<2048xi32, #tpu.memory_space<vmem>>)
      tpu.yield
    }) : () -> ()
    %dma_start3A = arith.constant 0 : i32
    %dma_start3A_3 = tpu.memref_slice %arg5[%dma_start3A] : memref<2048xi32, #tpu.memory_space<vmem>> -> memref<128xi32, #tpu.memory_space<vmem>>
    %dma_start3A_4 = arith.constant 0 : i32
    %dma_start3A_5 = arith.constant 0 : i32
    %dma_start3A_6 = tpu.memref_slice %arg2[%dma_start3A_4, %dma_start3A_5] : memref<1024x64xf32, #tpu.memory_space<hbm>> -> memref<1024x64xf32, #tpu.memory_space<hbm>>
    tpu.enqueue_indirect_dma source(%dma_start3A_6 : memref<1024x64xf32, #tpu.memory_space<hbm>>) target(%arg6 : memref<128x64xf32, #tpu.memory_space<vmem>>) offsets(%dma_start3A_3 : memref<128xi32, #tpu.memory_space<vmem>>) semaphore(%arg8 : memref<!tpu.dma_semaphore, #tpu.memory_space<semaphore_mem>>)
    %dma_start3A_7 = arith.constant 128 : i32
    %dma_start3A_8 = tpu.memref_slice %arg5[%dma_start3A_7] : memref<2048xi32, #tpu.memory_space<vmem>> -> memref<128xi32, #tpu.memory_space<vmem>>
    %dma_start3A_9 = arith.constant 0 : i32
    %dma_start3A_10 = arith.constant 0 : i32
    %dma_start3A_11 = tpu.memref_slice %arg2[%dma_start3A_9, %dma_start3A_10] : memref<1024x64xf32, #tpu.memory_space<hbm>> -> memref<1024x64xf32, #tpu.memory_space<hbm>>
    tpu.enqueue_indirect_dma source(%dma_start3A_11 : memref<1024x64xf32, #tpu.memory_space<hbm>>) target(%arg7 : memref<128x64xf32, #tpu.memory_space<vmem>>) offsets(%dma_start3A_8 : memref<128xi32, #tpu.memory_space<vmem>>) semaphore(%arg9 : memref<!tpu.dma_semaphore, #tpu.memory_space<semaphore_mem>>)
    %dma_wait3A = arith.constant 0 : i32
    %dma_wait3A_12 = tpu.memref_slice %arg5[%dma_wait3A] : memref<2048xi32, #tpu.memory_space<vmem>> -> memref<128xi32, #tpu.memory_space<vmem>>
    %dma_wait3A_13 = arith.constant 0 : i32
    %dma_wait3A_14 = arith.constant 0 : i32
    %dma_wait3A_15 = tpu.memref_slice %arg2[%dma_wait3A_13, %dma_wait3A_14] : memref<1024x64xf32, #tpu.memory_space<hbm>> -> memref<1024x64xf32, #tpu.memory_space<hbm>>
    tpu.wait_indirect_dma semaphore(%arg8 : memref<!tpu.dma_semaphore, #tpu.memory_space<semaphore_mem>>) src(%dma_wait3A_15 : memref<1024x64xf32, #tpu.memory_space<hbm>>) dst(%arg6 : memref<128x64xf32, #tpu.memory_space<vmem>>)
    %add3A_16 = arith.constant 0 : i32
    %add3A_17 = arith.addi %mul3A_2, %add3A_16 : i32
    %dma_start3A_18 = arith.constant 0 : i32
    %dma_start3A_19 = tpu.memref_slice %arg4[%add3A_17, %dma_start3A_18] : memref<65536x64xf32, #tpu.memory_space<hbm>> -> memref<128x64xf32, #tpu.memory_space<hbm>>
    %dma_start3A_20 = arith.constant 0 : i32
    %dma_start3A_21 = tpu.memref_slice %arg4[%add3A_17, %dma_start3A_20] : memref<65536x64xf32, #tpu.memory_space<hbm>> -> memref<128x64xf32, #tpu.memory_space<hbm>>
    tpu.enqueue_dma source(%arg6 : memref<128x64xf32, #tpu.memory_space<vmem>>) target(%dma_start3A_21 : memref<128x64xf32, #tpu.memory_space<hbm>>) target_semaphore(%arg10 : memref<!tpu.dma_semaphore, #tpu.memory_space<semaphore_mem>>)
    %dma_wait3A_22 = arith.constant 0 : i32
    %dma_wait3A_23 = tpu.memref_slice %arg4[%add3A_17, %dma_wait3A_22] : memref<65536x64xf32, #tpu.memory_space<hbm>> -> memref<128x64xf32, #tpu.memory_space<hbm>>
    %dma_wait3A_24 = arith.constant 0 : i32
    %dma_wait3A_25 = tpu.memref_slice %arg4[%add3A_17, %dma_wait3A_24] : memref<65536x64xf32, #tpu.memory_space<hbm>> -> memref<128x64xf32, #tpu.memory_space<hbm>>
    tpu.wait_dma2 semaphore(%arg10 : memref<!tpu.dma_semaphore, #tpu.memory_space<semaphore_mem>>) src(%arg6 : memref<128x64xf32, #tpu.memory_space<vmem>>) dst(%dma_wait3A_25 : memref<128x64xf32, #tpu.memory_space<hbm>>)
    %dma_start3A_26 = arith.constant 256 : i32
    %dma_start3A_27 = tpu.memref_slice %arg5[%dma_start3A_26] : memref<2048xi32, #tpu.memory_space<vmem>> -> memref<128xi32, #tpu.memory_space<vmem>>
    %dma_start3A_28 = arith.constant 0 : i32
    %dma_start3A_29 = arith.constant 0 : i32
    %dma_start3A_30 = tpu.memref_slice %arg2[%dma_start3A_28, %dma_start3A_29] : memref<1024x64xf32, #tpu.memory_space<hbm>> -> memref<1024x64xf32, #tpu.memory_space<hbm>>
    tpu.enqueue_indirect_dma source(%dma_start3A_30 : memref<1024x64xf32, #tpu.memory_space<hbm>>) target(%arg6 : memref<128x64xf32, #tpu.memory_space<vmem>>) offsets(%dma_start3A_27 : memref<128xi32, #tpu.memory_space<vmem>>) semaphore(%arg8 : memref<!tpu.dma_semaphore, #tpu.memory_space<semaphore_mem>>)
    %dma_wait3A_31 = arith.constant 128 : i32
    %dma_wait3A_32 = tpu.memref_slice %arg5[%dma_wait3A_31] : memref<2048xi32, #tpu.memory_space<vmem>> -> memref<128xi32, #tpu.memory_space<vmem>>
    %dma_wait3A_33 = arith.constant 0 : i32
    %dma_wait3A_34 = arith.constant 0 : i32
    %dma_wait3A_35 = tpu.memref_slice %arg2[%dma_wait3A_33, %dma_wait3A_34] : memref<1024x64xf32, #tpu.memory_space<hbm>> -> memref<1024x64xf32, #tpu.memory_space<hbm>>
    tpu.wait_indirect_dma semaphore(%arg9 : memref<!tpu.dma_semaphore, #tpu.memory_space<semaphore_mem>>) src(%dma_wait3A_35 : memref<1024x64xf32, #tpu.memory_space<hbm>>) dst(%arg7 : memref<128x64xf32, #tpu.memory_space<vmem>>)
    %add3A_36 = arith.constant 128 : i32
    %add3A_37 = arith.addi %mul3A_2, %add3A_36 : i32
    %dma_start3A_38 = arith.constant 0 : i32
    %dma_start3A_39 = tpu.memref_slice %arg4[%add3A_37, %dma_start3A_38] : memref<65536x64xf32, #tpu.memory_space<hbm>> -> memref<128x64xf32, #tpu.memory_space<hbm>>
    %dma_start3A_40 = arith.constant 0 : i32
    %dma_start3A_41 = tpu.memref_slice %arg4[%add3A_37, %dma_start3A_40] : memref<65536x64xf32, #tpu.memory_space<hbm>> -> memref<128x64xf32, #tpu.memory_space<hbm>>
    tpu.enqueue_dma source(%arg7 : memref<128x64xf32, #tpu.memory_space<vmem>>) target(%dma_start3A_41 : memref<128x64xf32, #tpu.memory_space<hbm>>) target_semaphore(%arg11 : memref<!tpu.dma_semaphore, #tpu.memory_space<semaphore_mem>>)
    %dma_wait3A_42 = arith.constant 0 : i32
    %dma_wait3A_43 = tpu.memref_slice %arg4[%add3A_37, %dma_wait3A_42] : memref<65536x64xf32, #tpu.memory_space<hbm>> -> memref<128x64xf32, #tpu.memory_space<hbm>>
    %dma_wait3A_44 = arith.constant 0 : i32
    %dma_wait3A_45 = tpu.memref_slice %arg4[%add3A_37, %dma_wait3A_44] : memref<65536x64xf32, #tpu.memory_space<hbm>> -> memref<128x64xf32, #tpu.memory_space<hbm>>
    tpu.wait_dma2 semaphore(%arg11 : memref<!tpu.dma_semaphore, #tpu.memory_space<semaphore_mem>>) src(%arg7 : memref<128x64xf32, #tpu.memory_space<vmem>>) dst(%dma_wait3A_45 : memref<128x64xf32, #tpu.memory_space<hbm>>)
    %dma_start3A_46 = arith.constant 384 : i32
    %dma_start3A_47 = tpu.memref_slice %arg5[%dma_start3A_46] : memref<2048xi32, #tpu.memory_space<vmem>> -> memref<128xi32, #tpu.memory_space<vmem>>
    %dma_start3A_48 = arith.constant 0 : i32
    %dma_start3A_49 = arith.constant 0 : i32
    %dma_start3A_50 = tpu.memref_slice %arg2[%dma_start3A_48, %dma_start3A_49] : memref<1024x64xf32, #tpu.memory_space<hbm>> -> memref<1024x64xf32, #tpu.memory_space<hbm>>
    tpu.enqueue_indirect_dma source(%dma_start3A_50 : memref<1024x64xf32, #tpu.memory_space<hbm>>) target(%arg7 : memref<128x64xf32, #tpu.memory_space<vmem>>) offsets(%dma_start3A_47 : memref<128xi32, #tpu.memory_space<vmem>>) semaphore(%arg9 : memref<!tpu.dma_semaphore, #tpu.memory_space<semaphore_mem>>)
    %dma_wait3A_51 = arith.constant 256 : i32
    %dma_wait3A_52 = tpu.memref_slice %arg5[%dma_wait3A_51] : memref<2048xi32, #tpu.memory_space<vmem>> -> memref<128xi32, #tpu.memory_space<vmem>>
    %dma_wait3A_53 = arith.constant 0 : i32
    %dma_wait3A_54 = arith.constant 0 : i32
    %dma_wait3A_55 = tpu.memref_slice %arg2[%dma_wait3A_53, %dma_wait3A_54] : memref<1024x64xf32, #tpu.memory_space<hbm>> -> memref<1024x64xf32, #tpu.memory_space<hbm>>
    tpu.wait_indirect_dma semaphore(%arg8 : memref<!tpu.dma_semaphore, #tpu.memory_space<semaphore_mem>>) src(%dma_wait3A_55 : memref<1024x64xf32, #tpu.memory_space<hbm>>) dst(%arg6 : memref<128x64xf32, #tpu.memory_space<vmem>>)
    %add3A_56 = arith.constant 256 : i32
    %add3A_57 = arith.addi %mul3A_2, %add3A_56 : i32
    %dma_start3A_58 = arith.constant 0 : i32
    %dma_start3A_59 = tpu.memref_slice %arg4[%add3A_57, %dma_start3A_58] : memref<65536x64xf32, #tpu.memory_space<hbm>> -> memref<128x64xf32, #tpu.memory_space<hbm>>
    %dma_start3A_60 = arith.constant 0 : i32
    %dma_start3A_61 = tpu.memref_slice %arg4[%add3A_57, %dma_start3A_60] : memref<65536x64xf32, #tpu.memory_space<hbm>> -> memref<128x64xf32, #tpu.memory_space<hbm>>
    tpu.enqueue_dma source(%arg6 : memref<128x64xf32, #tpu.memory_space<vmem>>) target(%dma_start3A_61 : memref<128x64xf32, #tpu.memory_space<hbm>>) target_semaphore(%arg10 : memref<!tpu.dma_semaphore, #tpu.memory_space<semaphore_mem>>)
    %dma_wait3A_62 = arith.constant 0 : i32
    %dma_wait3A_63 = tpu.memref_slice %arg4[%add3A_57, %dma_wait3A_62] : memref<65536x64xf32, #tpu.memory_space<hbm>> -> memref<128x64xf32, #tpu.memory_space<hbm>>
    %dma_wait3A_64 = arith.constant 0 : i32
    %dma_wait3A_65 = tpu.memref_slice %arg4[%add3A_57, %dma_wait3A_64] : memref<65536x64xf32, #tpu.memory_space<hbm>> -> memref<128x64xf32, #tpu.memory_space<hbm>>
    tpu.wait_dma2 semaphore(%arg10 : memref<!tpu.dma_semaphore, #tpu.memory_space<semaphore_mem>>) src(%arg6 : memref<128x64xf32, #tpu.memory_space<vmem>>) dst(%dma_wait3A_65 : memref<128x64xf32, #tpu.memory_space<hbm>>)
    %dma_start3A_66 = arith.constant 512 : i32
    %dma_start3A_67 = tpu.memref_slice %arg5[%dma_start3A_66] : memref<2048xi32, #tpu.memory_space<vmem>> -> memref<128xi32, #tpu.memory_space<vmem>>
    %dma_start3A_68 = arith.constant 0 : i32
    %dma_start3A_69 = arith.constant 0 : i32
    %dma_start3A_70 = tpu.memref_slice %arg2[%dma_start3A_68, %dma_start3A_69] : memref<1024x64xf32, #tpu.memory_space<hbm>> -> memref<1024x64xf32, #tpu.memory_space<hbm>>
    tpu.enqueue_indirect_dma source(%dma_start3A_70 : memref<1024x64xf32, #tpu.memory_space<hbm>>) target(%arg6 : memref<128x64xf32, #tpu.memory_space<vmem>>) offsets(%dma_start3A_67 : memref<128xi32, #tpu.memory_space<vmem>>) semaphore(%arg8 : memref<!tpu.dma_semaphore, #tpu.memory_space<semaphore_mem>>)
    %dma_wait3A_71 = arith.constant 384 : i32
    %dma_wait3A_72 = tpu.memref_slice %arg5[%dma_wait3A_71] : memref<2048xi32, #tpu.memory_space<vmem>> -> memref<128xi32, #tpu.memory_space<vmem>>
    %dma_wait3A_73 = arith.constant 0 : i32
    %dma_wait3A_74 = arith.constant 0 : i32
    %dma_wait3A_75 = tpu.memref_slice %arg2[%dma_wait3A_73, %dma_wait3A_74] : memref<1024x64xf32, #tpu.memory_space<hbm>> -> memref<1024x64xf32, #tpu.memory_space<hbm>>
    tpu.wait_indirect_dma semaphore(%arg9 : memref<!tpu.dma_semaphore, #tpu.memory_space<semaphore_mem>>) src(%dma_wait3A_75 : memref<1024x64xf32, #tpu.memory_space<hbm>>) dst(%arg7 : memref<128x64xf32, #tpu.memory_space<vmem>>)
    %add3A_76 = arith.constant 384 : i32
    %add3A_77 = arith.addi %mul3A_2, %add3A_76 : i32
    %dma_start3A_78 = arith.constant 0 : i32
    %dma_start3A_79 = tpu.memref_slice %arg4[%add3A_77, %dma_start3A_78] : memref<65536x64xf32, #tpu.memory_space<hbm>> -> memref<128x64xf32, #tpu.memory_space<hbm>>
    %dma_start3A_80 = arith.constant 0 : i32
    %dma_start3A_81 = tpu.memref_slice %arg4[%add3A_77, %dma_start3A_80] : memref<65536x64xf32, #tpu.memory_space<hbm>> -> memref<128x64xf32, #tpu.memory_space<hbm>>
    tpu.enqueue_dma source(%arg7 : memref<128x64xf32, #tpu.memory_space<vmem>>) target(%dma_start3A_81 : memref<128x64xf32, #tpu.memory_space<hbm>>) target_semaphore(%arg11 : memref<!tpu.dma_semaphore, #tpu.memory_space<semaphore_mem>>)
    %dma_wait3A_82 = arith.constant 0 : i32
    %dma_wait3A_83 = tpu.memref_slice %arg4[%add3A_77, %dma_wait3A_82] : memref<65536x64xf32, #tpu.memory_space<hbm>> -> memref<128x64xf32, #tpu.memory_space<hbm>>
    %dma_wait3A_84 = arith.constant 0 : i32
    %dma_wait3A_85 = tpu.memref_slice %arg4[%add3A_77, %dma_wait3A_84] : memref<65536x64xf32, #tpu.memory_space<hbm>> -> memref<128x64xf32, #tpu.memory_space<hbm>>
    tpu.wait_dma2 semaphore(%arg11 : memref<!tpu.dma_semaphore, #tpu.memory_space<semaphore_mem>>) src(%arg7 : memref<128x64xf32, #tpu.memory_space<vmem>>) dst(%dma_wait3A_85 : memref<128x64xf32, #tpu.memory_space<hbm>>)
    %dma_start3A_86 = arith.constant 640 : i32
    %dma_start3A_87 = tpu.memref_slice %arg5[%dma_start3A_86] : memref<2048xi32, #tpu.memory_space<vmem>> -> memref<128xi32, #tpu.memory_space<vmem>>
    %dma_start3A_88 = arith.constant 0 : i32
    %dma_start3A_89 = arith.constant 0 : i32
    %dma_start3A_90 = tpu.memref_slice %arg2[%dma_start3A_88, %dma_start3A_89] : memref<1024x64xf32, #tpu.memory_space<hbm>> -> memref<1024x64xf32, #tpu.memory_space<hbm>>
    tpu.enqueue_indirect_dma source(%dma_start3A_90 : memref<1024x64xf32, #tpu.memory_space<hbm>>) target(%arg7 : memref<128x64xf32, #tpu.memory_space<vmem>>) offsets(%dma_start3A_87 : memref<128xi32, #tpu.memory_space<vmem>>) semaphore(%arg9 : memref<!tpu.dma_semaphore, #tpu.memory_space<semaphore_mem>>)
    %dma_wait3A_91 = arith.constant 512 : i32
    %dma_wait3A_92 = tpu.memref_slice %arg5[%dma_wait3A_91] : memref<2048xi32, #tpu.memory_space<vmem>> -> memref<128xi32, #tpu.memory_space<vmem>>
    %dma_wait3A_93 = arith.constant 0 : i32
    %dma_wait3A_94 = arith.constant 0 : i32
    %dma_wait3A_95 = tpu.memref_slice %arg2[%dma_wait3A_93, %dma_wait3A_94] : memref<1024x64xf32, #tpu.memory_space<hbm>> -> memref<1024x64xf32, #tpu.memory_space<hbm>>
    tpu.wait_indirect_dma semaphore(%arg8 : memref<!tpu.dma_semaphore, #tpu.memory_space<semaphore_mem>>) src(%dma_wait3A_95 : memref<1024x64xf32, #tpu.memory_space<hbm>>) dst(%arg6 : memref<128x64xf32, #tpu.memory_space<vmem>>)
    %add3A_96 = arith.constant 512 : i32
    %add3A_97 = arith.addi %mul3A_2, %add3A_96 : i32
    %dma_start3A_98 = arith.constant 0 : i32
    %dma_start3A_99 = tpu.memref_slice %arg4[%add3A_97, %dma_start3A_98] : memref<65536x64xf32, #tpu.memory_space<hbm>> -> memref<128x64xf32, #tpu.memory_space<hbm>>
    %dma_start3A_100 = arith.constant 0 : i32
    %dma_start3A_101 = tpu.memref_slice %arg4[%add3A_97, %dma_start3A_100] : memref<65536x64xf32, #tpu.memory_space<hbm>> -> memref<128x64xf32, #tpu.memory_space<hbm>>
    tpu.enqueue_dma source(%arg6 : memref<128x64xf32, #tpu.memory_space<vmem>>) target(%dma_start3A_101 : memref<128x64xf32, #tpu.memory_space<hbm>>) target_semaphore(%arg10 : memref<!tpu.dma_semaphore, #tpu.memory_space<semaphore_mem>>)
    %dma_wait3A_102 = arith.constant 0 : i32
    %dma_wait3A_103 = tpu.memref_slice %arg4[%add3A_97, %dma_wait3A_102] : memref<65536x64xf32, #tpu.memory_space<hbm>> -> memref<128x64xf32, #tpu.memory_space<hbm>>
    %dma_wait3A_104 = arith.constant 0 : i32
    %dma_wait3A_105 = tpu.memref_slice %arg4[%add3A_97, %dma_wait3A_104] : memref<65536x64xf32, #tpu.memory_space<hbm>> -> memref<128x64xf32, #tpu.memory_space<hbm>>
    tpu.wait_dma2 semaphore(%arg10 : memref<!tpu.dma_semaphore, #tpu.memory_space<semaphore_mem>>) src(%arg6 : memref<128x64xf32, #tpu.memory_space<vmem>>) dst(%dma_wait3A_105 : memref<128x64xf32, #tpu.memory_space<hbm>>)
    %dma_start3A_106 = arith.constant 768 : i32
    %dma_start3A_107 = tpu.memref_slice %arg5[%dma_start3A_106] : memref<2048xi32, #tpu.memory_space<vmem>> -> memref<128xi32, #tpu.memory_space<vmem>>
    %dma_start3A_108 = arith.constant 0 : i32
    %dma_start3A_109 = arith.constant 0 : i32
    %dma_start3A_110 = tpu.memref_slice %arg2[%dma_start3A_108, %dma_start3A_109] : memref<1024x64xf32, #tpu.memory_space<hbm>> -> memref<1024x64xf32, #tpu.memory_space<hbm>>
    tpu.enqueue_indirect_dma source(%dma_start3A_110 : memref<1024x64xf32, #tpu.memory_space<hbm>>) target(%arg6 : memref<128x64xf32, #tpu.memory_space<vmem>>) offsets(%dma_start3A_107 : memref<128xi32, #tpu.memory_space<vmem>>) semaphore(%arg8 : memref<!tpu.dma_semaphore, #tpu.memory_space<semaphore_mem>>)
    %dma_wait3A_111 = arith.constant 640 : i32
    %dma_wait3A_112 = tpu.memref_slice %arg5[%dma_wait3A_111] : memref<2048xi32, #tpu.memory_space<vmem>> -> memref<128xi32, #tpu.memory_space<vmem>>
    %dma_wait3A_113 = arith.constant 0 : i32
    %dma_wait3A_114 = arith.constant 0 : i32
    %dma_wait3A_115 = tpu.memref_slice %arg2[%dma_wait3A_113, %dma_wait3A_114] : memref<1024x64xf32, #tpu.memory_space<hbm>> -> memref<1024x64xf32, #tpu.memory_space<hbm>>
    tpu.wait_indirect_dma semaphore(%arg9 : memref<!tpu.dma_semaphore, #tpu.memory_space<semaphore_mem>>) src(%dma_wait3A_115 : memref<1024x64xf32, #tpu.memory_space<hbm>>) dst(%arg7 : memref<128x64xf32, #tpu.memory_space<vmem>>)
    %add3A_116 = arith.constant 640 : i32
    %add3A_117 = arith.addi %mul3A_2, %add3A_116 : i32
    %dma_start3A_118 = arith.constant 0 : i32
    %dma_start3A_119 = tpu.memref_slice %arg4[%add3A_117, %dma_start3A_118] : memref<65536x64xf32, #tpu.memory_space<hbm>> -> memref<128x64xf32, #tpu.memory_space<hbm>>
    %dma_start3A_120 = arith.constant 0 : i32
    %dma_start3A_121 = tpu.memref_slice %arg4[%add3A_117, %dma_start3A_120] : memref<65536x64xf32, #tpu.memory_space<hbm>> -> memref<128x64xf32, #tpu.memory_space<hbm>>
    tpu.enqueue_dma source(%arg7 : memref<128x64xf32, #tpu.memory_space<vmem>>) target(%dma_start3A_121 : memref<128x64xf32, #tpu.memory_space<hbm>>) target_semaphore(%arg11 : memref<!tpu.dma_semaphore, #tpu.memory_space<semaphore_mem>>)
    %dma_wait3A_122 = arith.constant 0 : i32
    %dma_wait3A_123 = tpu.memref_slice %arg4[%add3A_117, %dma_wait3A_122] : memref<65536x64xf32, #tpu.memory_space<hbm>> -> memref<128x64xf32, #tpu.memory_space<hbm>>
    %dma_wait3A_124 = arith.constant 0 : i32
    %dma_wait3A_125 = tpu.memref_slice %arg4[%add3A_117, %dma_wait3A_124] : memref<65536x64xf32, #tpu.memory_space<hbm>> -> memref<128x64xf32, #tpu.memory_space<hbm>>
    tpu.wait_dma2 semaphore(%arg11 : memref<!tpu.dma_semaphore, #tpu.memory_space<semaphore_mem>>) src(%arg7 : memref<128x64xf32, #tpu.memory_space<vmem>>) dst(%dma_wait3A_125 : memref<128x64xf32, #tpu.memory_space<hbm>>)
    %dma_start3A_126 = arith.constant 896 : i32
    %dma_start3A_127 = tpu.memref_slice %arg5[%dma_start3A_126] : memref<2048xi32, #tpu.memory_space<vmem>> -> memref<128xi32, #tpu.memory_space<vmem>>
    %dma_start3A_128 = arith.constant 0 : i32
    %dma_start3A_129 = arith.constant 0 : i32
    %dma_start3A_130 = tpu.memref_slice %arg2[%dma_start3A_128, %dma_start3A_129] : memref<1024x64xf32, #tpu.memory_space<hbm>> -> memref<1024x64xf32, #tpu.memory_space<hbm>>
    tpu.enqueue_indirect_dma source(%dma_start3A_130 : memref<1024x64xf32, #tpu.memory_space<hbm>>) target(%arg7 : memref<128x64xf32, #tpu.memory_space<vmem>>) offsets(%dma_start3A_127 : memref<128xi32, #tpu.memory_space<vmem>>) semaphore(%arg9 : memref<!tpu.dma_semaphore, #tpu.memory_space<semaphore_mem>>)
    %dma_wait3A_131 = arith.constant 768 : i32
    %dma_wait3A_132 = tpu.memref_slice %arg5[%dma_wait3A_131] : memref<2048xi32, #tpu.memory_space<vmem>> -> memref<128xi32, #tpu.memory_space<vmem>>
    %dma_wait3A_133 = arith.constant 0 : i32
    %dma_wait3A_134 = arith.constant 0 : i32
    %dma_wait3A_135 = tpu.memref_slice %arg2[%dma_wait3A_133, %dma_wait3A_134] : memref<1024x64xf32, #tpu.memory_space<hbm>> -> memref<1024x64xf32, #tpu.memory_space<hbm>>
    tpu.wait_indirect_dma semaphore(%arg8 : memref<!tpu.dma_semaphore, #tpu.memory_space<semaphore_mem>>) src(%dma_wait3A_135 : memref<1024x64xf32, #tpu.memory_space<hbm>>) dst(%arg6 : memref<128x64xf32, #tpu.memory_space<vmem>>)
    %add3A_136 = arith.constant 768 : i32
    %add3A_137 = arith.addi %mul3A_2, %add3A_136 : i32
    %dma_start3A_138 = arith.constant 0 : i32
    %dma_start3A_139 = tpu.memref_slice %arg4[%add3A_137, %dma_start3A_138] : memref<65536x64xf32, #tpu.memory_space<hbm>> -> memref<128x64xf32, #tpu.memory_space<hbm>>
    %dma_start3A_140 = arith.constant 0 : i32
    %dma_start3A_141 = tpu.memref_slice %arg4[%add3A_137, %dma_start3A_140] : memref<65536x64xf32, #tpu.memory_space<hbm>> -> memref<128x64xf32, #tpu.memory_space<hbm>>
    tpu.enqueue_dma source(%arg6 : memref<128x64xf32, #tpu.memory_space<vmem>>) target(%dma_start3A_141 : memref<128x64xf32, #tpu.memory_space<hbm>>) target_semaphore(%arg10 : memref<!tpu.dma_semaphore, #tpu.memory_space<semaphore_mem>>)
    %dma_wait3A_142 = arith.constant 0 : i32
    %dma_wait3A_143 = tpu.memref_slice %arg4[%add3A_137, %dma_wait3A_142] : memref<65536x64xf32, #tpu.memory_space<hbm>> -> memref<128x64xf32, #tpu.memory_space<hbm>>
    %dma_wait3A_144 = arith.constant 0 : i32
    %dma_wait3A_145 = tpu.memref_slice %arg4[%add3A_137, %dma_wait3A_144] : memref<65536x64xf32, #tpu.memory_space<hbm>> -> memref<128x64xf32, #tpu.memory_space<hbm>>
    tpu.wait_dma2 semaphore(%arg10 : memref<!tpu.dma_semaphore, #tpu.memory_space<semaphore_mem>>) src(%arg6 : memref<128x64xf32, #tpu.memory_space<vmem>>) dst(%dma_wait3A_145 : memref<128x64xf32, #tpu.memory_space<hbm>>)
    %dma_start3A_146 = arith.constant 1024 : i32
    %dma_start3A_147 = tpu.memref_slice %arg5[%dma_start3A_146] : memref<2048xi32, #tpu.memory_space<vmem>> -> memref<128xi32, #tpu.memory_space<vmem>>
    %dma_start3A_148 = arith.constant 0 : i32
    %dma_start3A_149 = arith.constant 0 : i32
    %dma_start3A_150 = tpu.memref_slice %arg2[%dma_start3A_148, %dma_start3A_149] : memref<1024x64xf32, #tpu.memory_space<hbm>> -> memref<1024x64xf32, #tpu.memory_space<hbm>>
    tpu.enqueue_indirect_dma source(%dma_start3A_150 : memref<1024x64xf32, #tpu.memory_space<hbm>>) target(%arg6 : memref<128x64xf32, #tpu.memory_space<vmem>>) offsets(%dma_start3A_147 : memref<128xi32, #tpu.memory_space<vmem>>) semaphore(%arg8 : memref<!tpu.dma_semaphore, #tpu.memory_space<semaphore_mem>>)
    %dma_wait3A_151 = arith.constant 896 : i32
    %dma_wait3A_152 = tpu.memref_slice %arg5[%dma_wait3A_151] : memref<2048xi32, #tpu.memory_space<vmem>> -> memref<128xi32, #tpu.memory_space<vmem>>
    %dma_wait3A_153 = arith.constant 0 : i32
    %dma_wait3A_154 = arith.constant 0 : i32
    %dma_wait3A_155 = tpu.memref_slice %arg2[%dma_wait3A_153, %dma_wait3A_154] : memref<1024x64xf32, #tpu.memory_space<hbm>> -> memref<1024x64xf32, #tpu.memory_space<hbm>>
    tpu.wait_indirect_dma semaphore(%arg9 : memref<!tpu.dma_semaphore, #tpu.memory_space<semaphore_mem>>) src(%dma_wait3A_155 : memref<1024x64xf32, #tpu.memory_space<hbm>>) dst(%arg7 : memref<128x64xf32, #tpu.memory_space<vmem>>)
    %add3A_156 = arith.constant 896 : i32
    %add3A_157 = arith.addi %mul3A_2, %add3A_156 : i32
    %dma_start3A_158 = arith.constant 0 : i32
    %dma_start3A_159 = tpu.memref_slice %arg4[%add3A_157, %dma_start3A_158] : memref<65536x64xf32, #tpu.memory_space<hbm>> -> memref<128x64xf32, #tpu.memory_space<hbm>>
    %dma_start3A_160 = arith.constant 0 : i32
    %dma_start3A_161 = tpu.memref_slice %arg4[%add3A_157, %dma_start3A_160] : memref<65536x64xf32, #tpu.memory_space<hbm>> -> memref<128x64xf32, #tpu.memory_space<hbm>>
    tpu.enqueue_dma source(%arg7 : memref<128x64xf32, #tpu.memory_space<vmem>>) target(%dma_start3A_161 : memref<128x64xf32, #tpu.memory_space<hbm>>) target_semaphore(%arg11 : memref<!tpu.dma_semaphore, #tpu.memory_space<semaphore_mem>>)
    %dma_wait3A_162 = arith.constant 0 : i32
    %dma_wait3A_163 = tpu.memref_slice %arg4[%add3A_157, %dma_wait3A_162] : memref<65536x64xf32, #tpu.memory_space<hbm>> -> memref<128x64xf32, #tpu.memory_space<hbm>>
    %dma_wait3A_164 = arith.constant 0 : i32
    %dma_wait3A_165 = tpu.memref_slice %arg4[%add3A_157, %dma_wait3A_164] : memref<65536x64xf32, #tpu.memory_space<hbm>> -> memref<128x64xf32, #tpu.memory_space<hbm>>
    tpu.wait_dma2 semaphore(%arg11 : memref<!tpu.dma_semaphore, #tpu.memory_space<semaphore_mem>>) src(%arg7 : memref<128x64xf32, #tpu.memory_space<vmem>>) dst(%dma_wait3A_165 : memref<128x64xf32, #tpu.memory_space<hbm>>)
    %dma_start3A_166 = arith.constant 1152 : i32
    %dma_start3A_167 = tpu.memref_slice %arg5[%dma_start3A_166] : memref<2048xi32, #tpu.memory_space<vmem>> -> memref<128xi32, #tpu.memory_space<vmem>>
    %dma_start3A_168 = arith.constant 0 : i32
    %dma_start3A_169 = arith.constant 0 : i32
    %dma_start3A_170 = tpu.memref_slice %arg2[%dma_start3A_168, %dma_start3A_169] : memref<1024x64xf32, #tpu.memory_space<hbm>> -> memref<1024x64xf32, #tpu.memory_space<hbm>>
    tpu.enqueue_indirect_dma source(%dma_start3A_170 : memref<1024x64xf32, #tpu.memory_space<hbm>>) target(%arg7 : memref<128x64xf32, #tpu.memory_space<vmem>>) offsets(%dma_start3A_167 : memref<128xi32, #tpu.memory_space<vmem>>) semaphore(%arg9 : memref<!tpu.dma_semaphore, #tpu.memory_space<semaphore_mem>>)
    %dma_wait3A_171 = arith.constant 1024 : i32
    %dma_wait3A_172 = tpu.memref_slice %arg5[%dma_wait3A_171] : memref<2048xi32, #tpu.memory_space<vmem>> -> memref<128xi32, #tpu.memory_space<vmem>>
    %dma_wait3A_173 = arith.constant 0 : i32
    %dma_wait3A_174 = arith.constant 0 : i32
    %dma_wait3A_175 = tpu.memref_slice %arg2[%dma_wait3A_173, %dma_wait3A_174] : memref<1024x64xf32, #tpu.memory_space<hbm>> -> memref<1024x64xf32, #tpu.memory_space<hbm>>
    tpu.wait_indirect_dma semaphore(%arg8 : memref<!tpu.dma_semaphore, #tpu.memory_space<semaphore_mem>>) src(%dma_wait3A_175 : memref<1024x64xf32, #tpu.memory_space<hbm>>) dst(%arg6 : memref<128x64xf32, #tpu.memory_space<vmem>>)
    %add3A_176 = arith.constant 1024 : i32
    %add3A_177 = arith.addi %mul3A_2, %add3A_176 : i32
    %dma_start3A_178 = arith.constant 0 : i32
    %dma_start3A_179 = tpu.memref_slice %arg4[%add3A_177, %dma_start3A_178] : memref<65536x64xf32, #tpu.memory_space<hbm>> -> memref<128x64xf32, #tpu.memory_space<hbm>>
    %dma_start3A_180 = arith.constant 0 : i32
    %dma_start3A_181 = tpu.memref_slice %arg4[%add3A_177, %dma_start3A_180] : memref<65536x64xf32, #tpu.memory_space<hbm>> -> memref<128x64xf32, #tpu.memory_space<hbm>>
    tpu.enqueue_dma source(%arg6 : memref<128x64xf32, #tpu.memory_space<vmem>>) target(%dma_start3A_181 : memref<128x64xf32, #tpu.memory_space<hbm>>) target_semaphore(%arg10 : memref<!tpu.dma_semaphore, #tpu.memory_space<semaphore_mem>>)
    %dma_wait3A_182 = arith.constant 0 : i32
    %dma_wait3A_183 = tpu.memref_slice %arg4[%add3A_177, %dma_wait3A_182] : memref<65536x64xf32, #tpu.memory_space<hbm>> -> memref<128x64xf32, #tpu.memory_space<hbm>>
    %dma_wait3A_184 = arith.constant 0 : i32
    %dma_wait3A_185 = tpu.memref_slice %arg4[%add3A_177, %dma_wait3A_184] : memref<65536x64xf32, #tpu.memory_space<hbm>> -> memref<128x64xf32, #tpu.memory_space<hbm>>
    tpu.wait_dma2 semaphore(%arg10 : memref<!tpu.dma_semaphore, #tpu.memory_space<semaphore_mem>>) src(%arg6 : memref<128x64xf32, #tpu.memory_space<vmem>>) dst(%dma_wait3A_185 : memref<128x64xf32, #tpu.memory_space<hbm>>)
    %dma_start3A_186 = arith.constant 1280 : i32
    %dma_start3A_187 = tpu.memref_slice %arg5[%dma_start3A_186] : memref<2048xi32, #tpu.memory_space<vmem>> -> memref<128xi32, #tpu.memory_space<vmem>>
    %dma_start3A_188 = arith.constant 0 : i32
    %dma_start3A_189 = arith.constant 0 : i32
    %dma_start3A_190 = tpu.memref_slice %arg2[%dma_start3A_188, %dma_start3A_189] : memref<1024x64xf32, #tpu.memory_space<hbm>> -> memref<1024x64xf32, #tpu.memory_space<hbm>>
    tpu.enqueue_indirect_dma source(%dma_start3A_190 : memref<1024x64xf32, #tpu.memory_space<hbm>>) target(%arg6 : memref<128x64xf32, #tpu.memory_space<vmem>>) offsets(%dma_start3A_187 : memref<128xi32, #tpu.memory_space<vmem>>) semaphore(%arg8 : memref<!tpu.dma_semaphore, #tpu.memory_space<semaphore_mem>>)
    %dma_wait3A_191 = arith.constant 1152 : i32
    %dma_wait3A_192 = tpu.memref_slice %arg5[%dma_wait3A_191] : memref<2048xi32, #tpu.memory_space<vmem>> -> memref<128xi32, #tpu.memory_space<vmem>>
    %dma_wait3A_193 = arith.constant 0 : i32
    %dma_wait3A_194 = arith.constant 0 : i32
    %dma_wait3A_195 = tpu.memref_slice %arg2[%dma_wait3A_193, %dma_wait3A_194] : memref<1024x64xf32, #tpu.memory_space<hbm>> -> memref<1024x64xf32, #tpu.memory_space<hbm>>
    tpu.wait_indirect_dma semaphore(%arg9 : memref<!tpu.dma_semaphore, #tpu.memory_space<semaphore_mem>>) src(%dma_wait3A_195 : memref<1024x64xf32, #tpu.memory_space<hbm>>) dst(%arg7 : memref<128x64xf32, #tpu.memory_space<vmem>>)
    %add3A_196 = arith.constant 1152 : i32
    %add3A_197 = arith.addi %mul3A_2, %add3A_196 : i32
    %dma_start3A_198 = arith.constant 0 : i32
    %dma_start3A_199 = tpu.memref_slice %arg4[%add3A_197, %dma_start3A_198] : memref<65536x64xf32, #tpu.memory_space<hbm>> -> memref<128x64xf32, #tpu.memory_space<hbm>>
    %dma_start3A_200 = arith.constant 0 : i32
    %dma_start3A_201 = tpu.memref_slice %arg4[%add3A_197, %dma_start3A_200] : memref<65536x64xf32, #tpu.memory_space<hbm>> -> memref<128x64xf32, #tpu.memory_space<hbm>>
    tpu.enqueue_dma source(%arg7 : memref<128x64xf32, #tpu.memory_space<vmem>>) target(%dma_start3A_201 : memref<128x64xf32, #tpu.memory_space<hbm>>) target_semaphore(%arg11 : memref<!tpu.dma_semaphore, #tpu.memory_space<semaphore_mem>>)
    %dma_wait3A_202 = arith.constant 0 : i32
    %dma_wait3A_203 = tpu.memref_slice %arg4[%add3A_197, %dma_wait3A_202] : memref<65536x64xf32, #tpu.memory_space<hbm>> -> memref<128x64xf32, #tpu.memory_space<hbm>>
    %dma_wait3A_204 = arith.constant 0 : i32
    %dma_wait3A_205 = tpu.memref_slice %arg4[%add3A_197, %dma_wait3A_204] : memref<65536x64xf32, #tpu.memory_space<hbm>> -> memref<128x64xf32, #tpu.memory_space<hbm>>
    tpu.wait_dma2 semaphore(%arg11 : memref<!tpu.dma_semaphore, #tpu.memory_space<semaphore_mem>>) src(%arg7 : memref<128x64xf32, #tpu.memory_space<vmem>>) dst(%dma_wait3A_205 : memref<128x64xf32, #tpu.memory_space<hbm>>)
    %dma_start3A_206 = arith.constant 1408 : i32
    %dma_start3A_207 = tpu.memref_slice %arg5[%dma_start3A_206] : memref<2048xi32, #tpu.memory_space<vmem>> -> memref<128xi32, #tpu.memory_space<vmem>>
    %dma_start3A_208 = arith.constant 0 : i32
    %dma_start3A_209 = arith.constant 0 : i32
    %dma_start3A_210 = tpu.memref_slice %arg2[%dma_start3A_208, %dma_start3A_209] : memref<1024x64xf32, #tpu.memory_space<hbm>> -> memref<1024x64xf32, #tpu.memory_space<hbm>>
    tpu.enqueue_indirect_dma source(%dma_start3A_210 : memref<1024x64xf32, #tpu.memory_space<hbm>>) target(%arg7 : memref<128x64xf32, #tpu.memory_space<vmem>>) offsets(%dma_start3A_207 : memref<128xi32, #tpu.memory_space<vmem>>) semaphore(%arg9 : memref<!tpu.dma_semaphore, #tpu.memory_space<semaphore_mem>>)
    %dma_wait3A_211 = arith.constant 1280 : i32
    %dma_wait3A_212 = tpu.memref_slice %arg5[%dma_wait3A_211] : memref<2048xi32, #tpu.memory_space<vmem>> -> memref<128xi32, #tpu.memory_space<vmem>>
    %dma_wait3A_213 = arith.constant 0 : i32
    %dma_wait3A_214 = arith.constant 0 : i32
    %dma_wait3A_215 = tpu.memref_slice %arg2[%dma_wait3A_213, %dma_wait3A_214] : memref<1024x64xf32, #tpu.memory_space<hbm>> -> memref<1024x64xf32, #tpu.memory_space<hbm>>
    tpu.wait_indirect_dma semaphore(%arg8 : memref<!tpu.dma_semaphore, #tpu.memory_space<semaphore_mem>>) src(%dma_wait3A_215 : memref<1024x64xf32, #tpu.memory_space<hbm>>) dst(%arg6 : memref<128x64xf32, #tpu.memory_space<vmem>>)
    %add3A_216 = arith.constant 1280 : i32
    %add3A_217 = arith.addi %mul3A_2, %add3A_216 : i32
    %dma_start3A_218 = arith.constant 0 : i32
    %dma_start3A_219 = tpu.memref_slice %arg4[%add3A_217, %dma_start3A_218] : memref<65536x64xf32, #tpu.memory_space<hbm>> -> memref<128x64xf32, #tpu.memory_space<hbm>>
    %dma_start3A_220 = arith.constant 0 : i32
    %dma_start3A_221 = tpu.memref_slice %arg4[%add3A_217, %dma_start3A_220] : memref<65536x64xf32, #tpu.memory_space<hbm>> -> memref<128x64xf32, #tpu.memory_space<hbm>>
    tpu.enqueue_dma source(%arg6 : memref<128x64xf32, #tpu.memory_space<vmem>>) target(%dma_start3A_221 : memref<128x64xf32, #tpu.memory_space<hbm>>) target_semaphore(%arg10 : memref<!tpu.dma_semaphore, #tpu.memory_space<semaphore_mem>>)
    %dma_wait3A_222 = arith.constant 0 : i32
    %dma_wait3A_223 = tpu.memref_slice %arg4[%add3A_217, %dma_wait3A_222] : memref<65536x64xf32, #tpu.memory_space<hbm>> -> memref<128x64xf32, #tpu.memory_space<hbm>>
    %dma_wait3A_224 = arith.constant 0 : i32
    %dma_wait3A_225 = tpu.memref_slice %arg4[%add3A_217, %dma_wait3A_224] : memref<65536x64xf32, #tpu.memory_space<hbm>> -> memref<128x64xf32, #tpu.memory_space<hbm>>
    tpu.wait_dma2 semaphore(%arg10 : memref<!tpu.dma_semaphore, #tpu.memory_space<semaphore_mem>>) src(%arg6 : memref<128x64xf32, #tpu.memory_space<vmem>>) dst(%dma_wait3A_225 : memref<128x64xf32, #tpu.memory_space<hbm>>)
    %dma_start3A_226 = arith.constant 1536 : i32
    %dma_start3A_227 = tpu.memref_slice %arg5[%dma_start3A_226] : memref<2048xi32, #tpu.memory_space<vmem>> -> memref<128xi32, #tpu.memory_space<vmem>>
    %dma_start3A_228 = arith.constant 0 : i32
    %dma_start3A_229 = arith.constant 0 : i32
    %dma_start3A_230 = tpu.memref_slice %arg2[%dma_start3A_228, %dma_start3A_229] : memref<1024x64xf32, #tpu.memory_space<hbm>> -> memref<1024x64xf32, #tpu.memory_space<hbm>>
    tpu.enqueue_indirect_dma source(%dma_start3A_230 : memref<1024x64xf32, #tpu.memory_space<hbm>>) target(%arg6 : memref<128x64xf32, #tpu.memory_space<vmem>>) offsets(%dma_start3A_227 : memref<128xi32, #tpu.memory_space<vmem>>) semaphore(%arg8 : memref<!tpu.dma_semaphore, #tpu.memory_space<semaphore_mem>>)
    %dma_wait3A_231 = arith.constant 1408 : i32
    %dma_wait3A_232 = tpu.memref_slice %arg5[%dma_wait3A_231] : memref<2048xi32, #tpu.memory_space<vmem>> -> memref<128xi32, #tpu.memory_space<vmem>>
    %dma_wait3A_233 = arith.constant 0 : i32
    %dma_wait3A_234 = arith.constant 0 : i32
    %dma_wait3A_235 = tpu.memref_slice %arg2[%dma_wait3A_233, %dma_wait3A_234] : memref<1024x64xf32, #tpu.memory_space<hbm>> -> memref<1024x64xf32, #tpu.memory_space<hbm>>
    tpu.wait_indirect_dma semaphore(%arg9 : memref<!tpu.dma_semaphore, #tpu.memory_space<semaphore_mem>>) src(%dma_wait3A_235 : memref<1024x64xf32, #tpu.memory_space<hbm>>) dst(%arg7 : memref<128x64xf32, #tpu.memory_space<vmem>>)
    %add3A_236 = arith.constant 1408 : i32
    %add3A_237 = arith.addi %mul3A_2, %add3A_236 : i32
    %dma_start3A_238 = arith.constant 0 : i32
    %dma_start3A_239 = tpu.memref_slice %arg4[%add3A_237, %dma_start3A_238] : memref<65536x64xf32, #tpu.memory_space<hbm>> -> memref<128x64xf32, #tpu.memory_space<hbm>>
    %dma_start3A_240 = arith.constant 0 : i32
    %dma_start3A_241 = tpu.memref_slice %arg4[%add3A_237, %dma_start3A_240] : memref<65536x64xf32, #tpu.memory_space<hbm>> -> memref<128x64xf32, #tpu.memory_space<hbm>>
    tpu.enqueue_dma source(%arg7 : memref<128x64xf32, #tpu.memory_space<vmem>>) target(%dma_start3A_241 : memref<128x64xf32, #tpu.memory_space<hbm>>) target_semaphore(%arg11 : memref<!tpu.dma_semaphore, #tpu.memory_space<semaphore_mem>>)
    %dma_wait3A_242 = arith.constant 0 : i32
    %dma_wait3A_243 = tpu.memref_slice %arg4[%add3A_237, %dma_wait3A_242] : memref<65536x64xf32, #tpu.memory_space<hbm>> -> memref<128x64xf32, #tpu.memory_space<hbm>>
    %dma_wait3A_244 = arith.constant 0 : i32
    %dma_wait3A_245 = tpu.memref_slice %arg4[%add3A_237, %dma_wait3A_244] : memref<65536x64xf32, #tpu.memory_space<hbm>> -> memref<128x64xf32, #tpu.memory_space<hbm>>
    tpu.wait_dma2 semaphore(%arg11 : memref<!tpu.dma_semaphore, #tpu.memory_space<semaphore_mem>>) src(%arg7 : memref<128x64xf32, #tpu.memory_space<vmem>>) dst(%dma_wait3A_245 : memref<128x64xf32, #tpu.memory_space<hbm>>)
    %dma_start3A_246 = arith.constant 1664 : i32
    %dma_start3A_247 = tpu.memref_slice %arg5[%dma_start3A_246] : memref<2048xi32, #tpu.memory_space<vmem>> -> memref<128xi32, #tpu.memory_space<vmem>>
    %dma_start3A_248 = arith.constant 0 : i32
    %dma_start3A_249 = arith.constant 0 : i32
    %dma_start3A_250 = tpu.memref_slice %arg2[%dma_start3A_248, %dma_start3A_249] : memref<1024x64xf32, #tpu.memory_space<hbm>> -> memref<1024x64xf32, #tpu.memory_space<hbm>>
    tpu.enqueue_indirect_dma source(%dma_start3A_250 : memref<1024x64xf32, #tpu.memory_space<hbm>>) target(%arg7 : memref<128x64xf32, #tpu.memory_space<vmem>>) offsets(%dma_start3A_247 : memref<128xi32, #tpu.memory_space<vmem>>) semaphore(%arg9 : memref<!tpu.dma_semaphore, #tpu.memory_space<semaphore_mem>>)
    %dma_wait3A_251 = arith.constant 1536 : i32
    %dma_wait3A_252 = tpu.memref_slice %arg5[%dma_wait3A_251] : memref<2048xi32, #tpu.memory_space<vmem>> -> memref<128xi32, #tpu.memory_space<vmem>>
    %dma_wait3A_253 = arith.constant 0 : i32
    %dma_wait3A_254 = arith.constant 0 : i32
    %dma_wait3A_255 = tpu.memref_slice %arg2[%dma_wait3A_253, %dma_wait3A_254] : memref<1024x64xf32, #tpu.memory_space<hbm>> -> memref<1024x64xf32, #tpu.memory_space<hbm>>
    tpu.wait_indirect_dma semaphore(%arg8 : memref<!tpu.dma_semaphore, #tpu.memory_space<semaphore_mem>>) src(%dma_wait3A_255 : memref<1024x64xf32, #tpu.memory_space<hbm>>) dst(%arg6 : memref<128x64xf32, #tpu.memory_space<vmem>>)
    %add3A_256 = arith.constant 1536 : i32
    %add3A_257 = arith.addi %mul3A_2, %add3A_256 : i32
    %dma_start3A_258 = arith.constant 0 : i32
    %dma_start3A_259 = tpu.memref_slice %arg4[%add3A_257, %dma_start3A_258] : memref<65536x64xf32, #tpu.memory_space<hbm>> -> memref<128x64xf32, #tpu.memory_space<hbm>>
    %dma_start3A_260 = arith.constant 0 : i32
    %dma_start3A_261 = tpu.memref_slice %arg4[%add3A_257, %dma_start3A_260] : memref<65536x64xf32, #tpu.memory_space<hbm>> -> memref<128x64xf32, #tpu.memory_space<hbm>>
    tpu.enqueue_dma source(%arg6 : memref<128x64xf32, #tpu.memory_space<vmem>>) target(%dma_start3A_261 : memref<128x64xf32, #tpu.memory_space<hbm>>) target_semaphore(%arg10 : memref<!tpu.dma_semaphore, #tpu.memory_space<semaphore_mem>>)
    %dma_wait3A_262 = arith.constant 0 : i32
    %dma_wait3A_263 = tpu.memref_slice %arg4[%add3A_257, %dma_wait3A_262] : memref<65536x64xf32, #tpu.memory_space<hbm>> -> memref<128x64xf32, #tpu.memory_space<hbm>>
    %dma_wait3A_264 = arith.constant 0 : i32
    %dma_wait3A_265 = tpu.memref_slice %arg4[%add3A_257, %dma_wait3A_264] : memref<65536x64xf32, #tpu.memory_space<hbm>> -> memref<128x64xf32, #tpu.memory_space<hbm>>
    tpu.wait_dma2 semaphore(%arg10 : memref<!tpu.dma_semaphore, #tpu.memory_space<semaphore_mem>>) src(%arg6 : memref<128x64xf32, #tpu.memory_space<vmem>>) dst(%dma_wait3A_265 : memref<128x64xf32, #tpu.memory_space<hbm>>)
    %dma_start3A_266 = arith.constant 1792 : i32
    %dma_start3A_267 = tpu.memref_slice %arg5[%dma_start3A_266] : memref<2048xi32, #tpu.memory_space<vmem>> -> memref<128xi32, #tpu.memory_space<vmem>>
    %dma_start3A_268 = arith.constant 0 : i32
    %dma_start3A_269 = arith.constant 0 : i32
    %dma_start3A_270 = tpu.memref_slice %arg2[%dma_start3A_268, %dma_start3A_269] : memref<1024x64xf32, #tpu.memory_space<hbm>> -> memref<1024x64xf32, #tpu.memory_space<hbm>>
    tpu.enqueue_indirect_dma source(%dma_start3A_270 : memref<1024x64xf32, #tpu.memory_space<hbm>>) target(%arg6 : memref<128x64xf32, #tpu.memory_space<vmem>>) offsets(%dma_start3A_267 : memref<128xi32, #tpu.memory_space<vmem>>) semaphore(%arg8 : memref<!tpu.dma_semaphore, #tpu.memory_space<semaphore_mem>>)
    %dma_wait3A_271 = arith.constant 1664 : i32
    %dma_wait3A_272 = tpu.memref_slice %arg5[%dma_wait3A_271] : memref<2048xi32, #tpu.memory_space<vmem>> -> memref<128xi32, #tpu.memory_space<vmem>>
    %dma_wait3A_273 = arith.constant 0 : i32
    %dma_wait3A_274 = arith.constant 0 : i32
    %dma_wait3A_275 = tpu.memref_slice %arg2[%dma_wait3A_273, %dma_wait3A_274] : memref<1024x64xf32, #tpu.memory_space<hbm>> -> memref<1024x64xf32, #tpu.memory_space<hbm>>
    tpu.wait_indirect_dma semaphore(%arg9 : memref<!tpu.dma_semaphore, #tpu.memory_space<semaphore_mem>>) src(%dma_wait3A_275 : memref<1024x64xf32, #tpu.memory_space<hbm>>) dst(%arg7 : memref<128x64xf32, #tpu.memory_space<vmem>>)
    %add3A_276 = arith.constant 1664 : i32
    %add3A_277 = arith.addi %mul3A_2, %add3A_276 : i32
    %dma_start3A_278 = arith.constant 0 : i32
    %dma_start3A_279 = tpu.memref_slice %arg4[%add3A_277, %dma_start3A_278] : memref<65536x64xf32, #tpu.memory_space<hbm>> -> memref<128x64xf32, #tpu.memory_space<hbm>>
    %dma_start3A_280 = arith.constant 0 : i32
    %dma_start3A_281 = tpu.memref_slice %arg4[%add3A_277, %dma_start3A_280] : memref<65536x64xf32, #tpu.memory_space<hbm>> -> memref<128x64xf32, #tpu.memory_space<hbm>>
    tpu.enqueue_dma source(%arg7 : memref<128x64xf32, #tpu.memory_space<vmem>>) target(%dma_start3A_281 : memref<128x64xf32, #tpu.memory_space<hbm>>) target_semaphore(%arg11 : memref<!tpu.dma_semaphore, #tpu.memory_space<semaphore_mem>>)
    %dma_wait3A_282 = arith.constant 0 : i32
    %dma_wait3A_283 = tpu.memref_slice %arg4[%add3A_277, %dma_wait3A_282] : memref<65536x64xf32, #tpu.memory_space<hbm>> -> memref<128x64xf32, #tpu.memory_space<hbm>>
    %dma_wait3A_284 = arith.constant 0 : i32
    %dma_wait3A_285 = tpu.memref_slice %arg4[%add3A_277, %dma_wait3A_284] : memref<65536x64xf32, #tpu.memory_space<hbm>> -> memref<128x64xf32, #tpu.memory_space<hbm>>
    tpu.wait_dma2 semaphore(%arg11 : memref<!tpu.dma_semaphore, #tpu.memory_space<semaphore_mem>>) src(%arg7 : memref<128x64xf32, #tpu.memory_space<vmem>>) dst(%dma_wait3A_285 : memref<128x64xf32, #tpu.memory_space<hbm>>)
    %dma_start3A_286 = arith.constant 1920 : i32
    %dma_start3A_287 = tpu.memref_slice %arg5[%dma_start3A_286] : memref<2048xi32, #tpu.memory_space<vmem>> -> memref<128xi32, #tpu.memory_space<vmem>>
    %dma_start3A_288 = arith.constant 0 : i32
    %dma_start3A_289 = arith.constant 0 : i32
    %dma_start3A_290 = tpu.memref_slice %arg2[%dma_start3A_288, %dma_start3A_289] : memref<1024x64xf32, #tpu.memory_space<hbm>> -> memref<1024x64xf32, #tpu.memory_space<hbm>>
    tpu.enqueue_indirect_dma source(%dma_start3A_290 : memref<1024x64xf32, #tpu.memory_space<hbm>>) target(%arg7 : memref<128x64xf32, #tpu.memory_space<vmem>>) offsets(%dma_start3A_287 : memref<128xi32, #tpu.memory_space<vmem>>) semaphore(%arg9 : memref<!tpu.dma_semaphore, #tpu.memory_space<semaphore_mem>>)
    %dma_wait3A_291 = arith.constant 1792 : i32
    %dma_wait3A_292 = tpu.memref_slice %arg5[%dma_wait3A_291] : memref<2048xi32, #tpu.memory_space<vmem>> -> memref<128xi32, #tpu.memory_space<vmem>>
    %dma_wait3A_293 = arith.constant 0 : i32
    %dma_wait3A_294 = arith.constant 0 : i32
    %dma_wait3A_295 = tpu.memref_slice %arg2[%dma_wait3A_293, %dma_wait3A_294] : memref<1024x64xf32, #tpu.memory_space<hbm>> -> memref<1024x64xf32, #tpu.memory_space<hbm>>
    tpu.wait_indirect_dma semaphore(%arg8 : memref<!tpu.dma_semaphore, #tpu.memory_space<semaphore_mem>>) src(%dma_wait3A_295 : memref<1024x64xf32, #tpu.memory_space<hbm>>) dst(%arg6 : memref<128x64xf32, #tpu.memory_space<vmem>>)
    %add3A_296 = arith.constant 1792 : i32
    %add3A_297 = arith.addi %mul3A_2, %add3A_296 : i32
    %dma_start3A_298 = arith.constant 0 : i32
    %dma_start3A_299 = tpu.memref_slice %arg4[%add3A_297, %dma_start3A_298] : memref<65536x64xf32, #tpu.memory_space<hbm>> -> memref<128x64xf32, #tpu.memory_space<hbm>>
    %dma_start3A_300 = arith.constant 0 : i32
    %dma_start3A_301 = tpu.memref_slice %arg4[%add3A_297, %dma_start3A_300] : memref<65536x64xf32, #tpu.memory_space<hbm>> -> memref<128x64xf32, #tpu.memory_space<hbm>>
    tpu.enqueue_dma source(%arg6 : memref<128x64xf32, #tpu.memory_space<vmem>>) target(%dma_start3A_301 : memref<128x64xf32, #tpu.memory_space<hbm>>) target_semaphore(%arg10 : memref<!tpu.dma_semaphore, #tpu.memory_space<semaphore_mem>>)
    %dma_wait3A_302 = arith.constant 1920 : i32
    %dma_wait3A_303 = tpu.memref_slice %arg5[%dma_wait3A_302] : memref<2048xi32, #tpu.memory_space<vmem>> -> memref<128xi32, #tpu.memory_space<vmem>>
    %dma_wait3A_304 = arith.constant 0 : i32
    %dma_wait3A_305 = arith.constant 0 : i32
    %dma_wait3A_306 = tpu.memref_slice %arg2[%dma_wait3A_304, %dma_wait3A_305] : memref<1024x64xf32, #tpu.memory_space<hbm>> -> memref<1024x64xf32, #tpu.memory_space<hbm>>
    tpu.wait_indirect_dma semaphore(%arg9 : memref<!tpu.dma_semaphore, #tpu.memory_space<semaphore_mem>>) src(%dma_wait3A_306 : memref<1024x64xf32, #tpu.memory_space<hbm>>) dst(%arg7 : memref<128x64xf32, #tpu.memory_space<vmem>>)
    %add3A_307 = arith.constant 1920 : i32
    %add3A_308 = arith.addi %mul3A_2, %add3A_307 : i32
    %dma_start3A_309 = arith.constant 0 : i32
    %dma_start3A_310 = tpu.memref_slice %arg4[%add3A_308, %dma_start3A_309] : memref<65536x64xf32, #tpu.memory_space<hbm>> -> memref<128x64xf32, #tpu.memory_space<hbm>>
    %dma_start3A_311 = arith.constant 0 : i32
    %dma_start3A_312 = tpu.memref_slice %arg4[%add3A_308, %dma_start3A_311] : memref<65536x64xf32, #tpu.memory_space<hbm>> -> memref<128x64xf32, #tpu.memory_space<hbm>>
    tpu.enqueue_dma source(%arg7 : memref<128x64xf32, #tpu.memory_space<vmem>>) target(%dma_start3A_312 : memref<128x64xf32, #tpu.memory_space<hbm>>) target_semaphore(%arg11 : memref<!tpu.dma_semaphore, #tpu.memory_space<semaphore_mem>>)
    %dma_wait3A_313 = arith.constant 0 : i32
    %dma_wait3A_314 = tpu.memref_slice %arg4[%add3A_297, %dma_wait3A_313] : memref<65536x64xf32, #tpu.memory_space<hbm>> -> memref<128x64xf32, #tpu.memory_space<hbm>>
    %dma_wait3A_315 = arith.constant 0 : i32
    %dma_wait3A_316 = tpu.memref_slice %arg4[%add3A_297, %dma_wait3A_315] : memref<65536x64xf32, #tpu.memory_space<hbm>> -> memref<128x64xf32, #tpu.memory_space<hbm>>
    tpu.wait_dma2 semaphore(%arg10 : memref<!tpu.dma_semaphore, #tpu.memory_space<semaphore_mem>>) src(%arg6 : memref<128x64xf32, #tpu.memory_space<vmem>>) dst(%dma_wait3A_316 : memref<128x64xf32, #tpu.memory_space<hbm>>)
    %dma_wait3A_317 = arith.constant 0 : i32
    %dma_wait3A_318 = tpu.memref_slice %arg4[%add3A_308, %dma_wait3A_317] : memref<65536x64xf32, #tpu.memory_space<hbm>> -> memref<128x64xf32, #tpu.memory_space<hbm>>
    %dma_wait3A_319 = arith.constant 0 : i32
    %dma_wait3A_320 = tpu.memref_slice %arg4[%add3A_308, %dma_wait3A_319] : memref<65536x64xf32, #tpu.memory_space<hbm>> -> memref<128x64xf32, #tpu.memory_space<hbm>>
    tpu.wait_dma2 semaphore(%arg11 : memref<!tpu.dma_semaphore, #tpu.memory_space<semaphore_mem>>) src(%arg7 : memref<128x64xf32, #tpu.memory_space<vmem>>) dst(%dma_wait3A_320 : memref<128x64xf32, #tpu.memory_space<hbm>>)
    return
  }
}

module attributes {stable_mosaic.version = 14 : i64} {
  func.func @_tc_body(%arg0: i32, %arg1: memref<1024x64xf32, #tpu.memory_space<vmem>>, %arg2: memref<1024x64xf32, #tpu.memory_space<vmem>>, %arg3: memref<1024x1xi32, #tpu.memory_space<vmem>>, %arg4: memref<1x2xf32, #tpu.memory_space<vmem>>, %arg5: memref<1x1xf32, #tpu.memory_space<vmem>>, %arg6: memref<1x1024xf32, #tpu.memory_space<vmem>>, %arg7: memref<1x1024xf32, #tpu.memory_space<vmem>>, %arg8: memref<1x1024xf32, #tpu.memory_space<vmem>>, %arg9: memref<1x1xf32, #tpu.memory_space<smem>>) attributes {dimension_semantics = [#tpu.dimension_semantics<arbitrary>], iteration_bounds = array<i64: 64>, scalar_prefetch = 0 : i64, scratch_operands = 4 : i64, tpu.core_type = #tpu.core_type<tc>, window_params = [{transform_indices = @transform_0, window_bounds = array<i64: 1024, 64>}, {pipeline_mode = #tpu.pipeline_mode<synchronous>, transform_indices = @transform_1, window_bounds = array<i64: 1024, 64>}, {transform_indices = @transform_2, window_bounds = array<i64: 1024, 1>}, {pipeline_mode = #tpu.pipeline_mode<synchronous>, transform_indices = @transform_3, window_bounds = array<i64: 1, 2>}, {pipeline_mode = #tpu.pipeline_mode<synchronous>, transform_indices = @transform_4, window_bounds = array<i64: 1, 1>}]} {
    %get3A = arith.constant 0 : index
    %get3A_0 = arith.constant 0 : index
    %get3A_1 = vector.load %arg1[%get3A, %get3A_0] : memref<1024x64xf32, #tpu.memory_space<vmem>>, vector<1024x64xf32>
    %get3A_2 = arith.constant 0 : index
    %get3A_3 = arith.constant 0 : index
    %get3A_4 = vector.load %arg2[%get3A_2, %get3A_3] : memref<1024x64xf32, #tpu.memory_space<vmem>>, vector<1024x64xf32>
    %eq3A = arith.constant 0 : i32
    %eq3A_5 = arith.cmpi eq, %arg0, %eq3A : i32
    %convert_element_type3A = arith.extui %eq3A_5 : i1 to i32
    %cond3A = arith.constant 0 : i32
    %cond3A_6 = arith.cmpi ne, %convert_element_type3A, %cond3A : i32
    scf.if %cond3A_6 {
      %mul3A_59 = arith.mulf %get3A_4, %get3A_4 : vector<1024x64xf32>
      %reduce_sum3A_60 = arith.constant dense<0.000000e+00> : vector<1024xf32>
      %reduce_sum3A_61 = vector.multi_reduction <add>, %mul3A_59, %reduce_sum3A_60 [1] : vector<1024x64xf32> to vector<1024xf32>
      %broadcast_in_dim3A_62 = vector.shape_cast %reduce_sum3A_61 : vector<1024xf32> to vector<1x1024xf32>
      %swap3A_63 = arith.constant 0 : index
      %swap3A_64 = arith.constant 0 : index
      %swap3A_65 = vector.load %arg7[%swap3A_63, %swap3A_64] : memref<1x1024xf32, #tpu.memory_space<vmem>>, vector<1x1024xf32>
      tpu.vector_store %arg7[%swap3A_63, %swap3A_64], %broadcast_in_dim3A_62 {strides = array<i32>} : memref<1x1024xf32, #tpu.memory_space<vmem>>, vector<1x1024xf32>,
      %iota3A = tpu.iota {dimensions = array<i32: 1>} : vector<1x1024xi32>
      %convert_element_type3A_66 = arith.sitofp %iota3A : vector<1x1024xi32> to vector<1x1024xf32>
      %swap3A_67 = arith.constant 0 : index
      %swap3A_68 = arith.constant 0 : index
      %swap3A_69 = vector.load %arg8[%swap3A_67, %swap3A_68] : memref<1x1024xf32, #tpu.memory_space<vmem>>, vector<1x1024xf32>
      tpu.vector_store %arg8[%swap3A_67, %swap3A_68], %convert_element_type3A_66 {strides = array<i32>} : memref<1x1024xf32, #tpu.memory_space<vmem>>, vector<1x1024xf32>,
      %broadcast_in_dim3A_70 = arith.constant 0.000000e+00 : f32
      %broadcast_in_dim3A_71 = vector.broadcast %broadcast_in_dim3A_70 : f32 to vector<1x1024xf32>
      %swap3A_72 = arith.constant 0 : index
      %swap3A_73 = arith.constant 0 : index
      %swap3A_74 = vector.load %arg6[%swap3A_72, %swap3A_73] : memref<1x1024xf32, #tpu.memory_space<vmem>>, vector<1x1024xf32>
      tpu.vector_store %arg6[%swap3A_72, %swap3A_73], %broadcast_in_dim3A_71 {strides = array<i32>} : memref<1x1024xf32, #tpu.memory_space<vmem>>, vector<1x1024xf32>,
      %swap3A_75 = arith.constant 0.000000e+00 : f32
      %swap3A_76 = arith.constant 0 : index
      %swap3A_77 = arith.constant 0 : index
      %swap3A_78 = memref.load %arg9[%swap3A_76, %swap3A_77] : memref<1x1xf32, #tpu.memory_space<smem>>
      memref.store %swap3A_75, %arg9[%swap3A_76, %swap3A_77] : memref<1x1xf32, #tpu.memory_space<smem>>
    } else {
    }
    %mul3A = arith.mulf %get3A_1, %get3A_1 : vector<1024x64xf32>
    %reduce_sum3A = arith.constant dense<0.000000e+00> : vector<1024xf32>
    %reduce_sum3A_7 = vector.multi_reduction <add>, %mul3A, %reduce_sum3A [1] : vector<1024x64xf32> to vector<1024xf32>
    %broadcast_in_dim3A = vector.shape_cast %reduce_sum3A_7 : vector<1024xf32> to vector<1024x1xf32>
    %add3A = arith.addf %get3A_1, %get3A_1 : vector<1024x64xf32>
    %dot_general3A = arith.constant dense<0.000000e+00> : vector<1024x1024xf32>
    %dot_general3A_8 = tpu.matmul %add3A, %get3A_4, %dot_general3A {dimension_numbers = #tpu.dot_dimension_numbers<[1], [1], [0], [0], [0, 0, 1, 0], [], []>, transpose_lhs_hint = false} : vector<1024x64xf32>, vector<1024x64xf32>, vector<1024x1024xf32> -> vector<1024x1024xf32>
    %get3A_9 = arith.constant 0 : index
    %get3A_10 = arith.constant 0 : index
    %get3A_11 = vector.load %arg7[%get3A_9, %get3A_10] : memref<1x1024xf32, #tpu.memory_space<vmem>>, vector<1x1024xf32>
    %add3A_12 = vector.broadcast %broadcast_in_dim3A : vector<1024x1xf32> to vector<1024x1024xf32>
    %add3A_13 = vector.broadcast %get3A_11 : vector<1x1024xf32> to vector<1024x1024xf32>
    %add3A_14 = arith.addf %add3A_12, %add3A_13 : vector<1024x1024xf32>
    %sub3A = arith.subf %add3A_14, %dot_general3A_8 : vector<1024x1024xf32>
    %reduce_min3A = arith.constant dense<0x7F800000> : vector<1024xf32>
    %reduce_min3A_15 = vector.multi_reduction <minimumf>, %sub3A, %reduce_min3A [1] : vector<1024x1024xf32> to vector<1024xf32>
    %broadcast_in_dim3A_16 = vector.shape_cast %reduce_min3A_15 : vector<1024xf32> to vector<1024x1xf32>
    %le3A = vector.broadcast %broadcast_in_dim3A_16 : vector<1024x1xf32> to vector<1024x1024xf32>
    %le3A_17 = arith.cmpf ole, %sub3A, %le3A : vector<1024x1024xf32>
    %get3A_18 = arith.constant 0 : index
    %get3A_19 = arith.constant 0 : index
    %get3A_20 = vector.load %arg8[%get3A_18, %get3A_19] : memref<1x1024xf32, #tpu.memory_space<vmem>>, vector<1x1024xf32>
    %jit3A = arith.constant 1.024000e+03 : f32
    %broadcast_in_dim3A_21 = vector.shape_cast %get3A_20 : vector<1x1024xf32> to vector<1x1024xf32>
    %broadcast_in_dim3A_22 = vector.broadcast %broadcast_in_dim3A_21 : vector<1x1024xf32> to vector<1024x1024xf32>
    %broadcast_in_dim3A_23 = vector.broadcast %jit3A : f32 to vector<1024x1024xf32>
    %select_n3A = arith.select %le3A_17, %broadcast_in_dim3A_22, %broadcast_in_dim3A_23 : vector<1024x1024xi1>, vector<1024x1024xf32>
    %reduce_min3A_24 = arith.constant dense<0x7F800000> : vector<1024xf32>
    %reduce_min3A_25 = vector.multi_reduction <minimumf>, %select_n3A, %reduce_min3A_24 [1] : vector<1024x1024xf32> to vector<1024xf32>
    %broadcast_in_dim3A_26 = vector.shape_cast %reduce_min3A_25 : vector<1024xf32> to vector<1024x1xf32>
    %convert_element_type3A_27 = arith.fptosi %broadcast_in_dim3A_26 : vector<1024x1xf32> to vector<1024x1xi32>
    %swap3A = arith.constant 0 : index
    %swap3A_28 = arith.constant 0 : index
    %swap3A_29 = vector.load %arg3[%swap3A, %swap3A_28] : memref<1024x1xi32, #tpu.memory_space<vmem>>, vector<1024x1xi32>
    tpu.vector_store %arg3[%swap3A, %swap3A_28], %convert_element_type3A_27 {strides = array<i32>} : memref<1024x1xi32, #tpu.memory_space<vmem>>, vector<1024x1xi32>,
    %get3A_30 = arith.constant 0 : index
    %get3A_31 = arith.constant 0 : index
    %get3A_32 = vector.load %arg6[%get3A_30, %get3A_31] : memref<1x1024xf32, #tpu.memory_space<vmem>>, vector<1x1024xf32>
    %convert_element_type3A_33 = arith.extui %le3A_17 : vector<1024x1024xi1> to vector<1024x1024xi32>
    %convert_element_type3A_34 = arith.sitofp %convert_element_type3A_33 : vector<1024x1024xi32> to vector<1024x1024xf32>
    %reduce_sum3A_35 = arith.constant dense<0.000000e+00> : vector<1024xf32>
    %reduce_sum3A_36 = vector.multi_reduction <add>, %convert_element_type3A_34, %reduce_sum3A_35 [0] : vector<1024x1024xf32> to vector<1024xf32>
    %broadcast_in_dim3A_37 = vector.shape_cast %reduce_sum3A_36 : vector<1024xf32> to vector<1x1024xf32>
    %add3A_38 = arith.addf %get3A_32, %broadcast_in_dim3A_37 : vector<1x1024xf32>
    %swap3A_39 = arith.constant 0 : index
    %swap3A_40 = arith.constant 0 : index
    %swap3A_41 = vector.load %arg6[%swap3A_39, %swap3A_40] : memref<1x1024xf32, #tpu.memory_space<vmem>>, vector<1x1024xf32>
    tpu.vector_store %arg6[%swap3A_39, %swap3A_40], %add3A_38 {strides = array<i32>} : memref<1x1024xf32, #tpu.memory_space<vmem>>, vector<1x1024xf32>,
    %get3A_42 = arith.constant 0 : index
    %get3A_43 = arith.constant 0 : index
    %get3A_44 = memref.load %arg9[%get3A_42, %get3A_43] : memref<1x1xf32, #tpu.memory_space<smem>>
    %reduce_sum3A_45 = vector.shape_cast %broadcast_in_dim3A_16 : vector<1024x1xf32> to vector<1x1024x1xf32>
    %reduce_sum3A_46 = arith.constant dense<0.000000e+00> : vector<1xf32>
    %reduce_sum3A_47 = vector.multi_reduction <add>, %reduce_sum3A_45, %reduce_sum3A_46 [1, 2] : vector<1x1024x1xf32> to vector<1xf32>
    %reduce_sum3A_48 = vector.shape_cast %reduce_sum3A_47 : vector<1xf32> to vector<1x1x1xf32>
    %reduce_sum3A_49 = vector.extract %reduce_sum3A_48[0, 0, 0] : f32 from vector<1x1x1xf32>
    %add3A_50 = arith.addf %get3A_44, %reduce_sum3A_49 : f32
    %swap3A_51 = arith.constant 0 : index
    %swap3A_52 = arith.constant 0 : index
    %swap3A_53 = memref.load %arg9[%swap3A_51, %swap3A_52] : memref<1x1xf32, #tpu.memory_space<smem>>
    memref.store %add3A_50, %arg9[%swap3A_51, %swap3A_52] : memref<1x1xf32, #tpu.memory_space<smem>>
    %eq3A_54 = arith.constant 63 : i32
    %eq3A_55 = arith.cmpi eq, %arg0, %eq3A_54 : i32
    %convert_element_type3A_56 = arith.extui %eq3A_55 : i1 to i32
    %cond3A_57 = arith.constant 0 : i32
    %cond3A_58 = arith.cmpi ne, %convert_element_type3A_56, %cond3A_57 : i32
    scf.if %cond3A_58 {
      %get3A_59 = arith.constant 0 : index
      %get3A_60 = arith.constant 0 : index
      %get3A_61 = memref.load %arg9[%get3A_59, %get3A_60] : memref<1x1xf32, #tpu.memory_space<smem>>
      %div3A = arith.constant 0x4A800000 : f32
      %div3A_62 = arith.divf %get3A_61, %div3A : f32
      %mul3A_63 = arith.constant 2.500000e-01 : f32
      %mul3A_64 = arith.mulf %mul3A_63, %div3A_62 : f32
      %stack3A = vector.broadcast %mul3A_64 : f32 to vector<1xf32>
      %stack3A_65 = vector.broadcast %div3A_62 : f32 to vector<1xf32>
      %stack3A_66 = tpu.concatenate %stack3A, %stack3A_65 in 0 : vector<1xf32>, vector<1xf32> -> vector<2xf32>
      %reshape3A = vector.shape_cast %stack3A_66 : vector<2xf32> to vector<1x2xf32>
      %swap3A_67 = arith.constant 0 : index
      %swap3A_68 = arith.constant 0 : index
      %swap3A_69 = vector.load %arg4[%swap3A_67, %swap3A_68] : memref<1x2xf32, #tpu.memory_space<vmem>>, vector<1x2xf32>
      tpu.vector_store %arg4[%swap3A_67, %swap3A_68], %reshape3A {strides = array<i32>} : memref<1x2xf32, #tpu.memory_space<vmem>>, vector<1x2xf32>,
      %get3A_70 = arith.constant 0 : index
      %get3A_71 = arith.constant 0 : index
      %get3A_72 = vector.load %arg6[%get3A_70, %get3A_71] : memref<1x1024xf32, #tpu.memory_space<vmem>>, vector<1x1024xf32>
      %get3A_73 = vector.shape_cast %get3A_72 : vector<1x1024xf32> to vector<1024xf32>
      %mul3A_74 = arith.constant 1.52587891E-5 : f32
      %mul3A_75 = vector.broadcast %mul3A_74 : f32 to vector<1024xf32>
      %mul3A_76 = arith.mulf %get3A_73, %mul3A_75 : vector<1024xf32>
      %add3A_77 = arith.constant 1.000000e-10 : f32
      %add3A_78 = vector.broadcast %add3A_77 : f32 to vector<1024xf32>
      %add3A_79 = arith.addf %mul3A_76, %add3A_78 : vector<1024xf32>
      %log3A = math.log %add3A_79 : vector<1024xf32>
      %mul3A_80 = arith.mulf %mul3A_76, %log3A : vector<1024xf32>
      %reduce_sum3A_81 = vector.shape_cast %mul3A_80 : vector<1024xf32> to vector<1x1024xf32>
      %reduce_sum3A_82 = arith.constant dense<0.000000e+00> : vector<1xf32>
      %reduce_sum3A_83 = vector.multi_reduction <add>, %reduce_sum3A_81, %reduce_sum3A_82 [1] : vector<1x1024xf32> to vector<1xf32>
      %reduce_sum3A_84 = vector.shape_cast %reduce_sum3A_83 : vector<1xf32> to vector<1x1xf32>
      %reduce_sum3A_85 = vector.extract %reduce_sum3A_84[0, 0] : f32 from vector<1x1xf32>
      %neg3A = arith.constant 0.000000e+00 : f32
      %neg3A_86 = arith.subf %neg3A, %reduce_sum3A_85 : f32
      %exp3A = math.exp %neg3A_86 : f32
      %reshape3A_87 = vector.broadcast %exp3A : f32 to vector<1x1xf32>
      %swap3A_88 = arith.constant 0 : index
      %swap3A_89 = arith.constant 0 : index
      %swap3A_90 = vector.load %arg5[%swap3A_88, %swap3A_89] : memref<1x1xf32, #tpu.memory_space<vmem>>, vector<1x1xf32>
      tpu.vector_store %arg5[%swap3A_88, %swap3A_89], %reshape3A_87 {strides = array<i32>} : memref<1x1xf32, #tpu.memory_space<vmem>>, vector<1x1xf32>,
    } else {
    }
    return
  }
  func.func @transform_0(%arg0: i32) -> (i32, i32) {
    %c0_i32 = arith.constant 0 : i32
    %c0_i32_0 = arith.constant 0 : i32
    return %arg0, %c0_i32 : i32, i32
  }
  func.func @transform_1(%arg0: i32) -> (i32, i32) {
    %c0_i32 = arith.constant 0 : i32
    %c0_i32_0 = arith.constant 0 : i32
    %c0_i32_1 = arith.constant 0 : i32
    return %c0_i32, %c0_i32_0 : i32, i32
  }
  func.func @transform_2(%arg0: i32) -> (i32, i32) {
    %c0_i32 = arith.constant 0 : i32
    %c0_i32_0 = arith.constant 0 : i32
    return %arg0, %c0_i32 : i32, i32
  }
  func.func @transform_3(%arg0: i32) -> (i32, i32) {
    %c0_i32 = arith.constant 0 : i32
    %c0_i32_0 = arith.constant 0 : i32
    %c0_i32_1 = arith.constant 0 : i32
    return %c0_i32, %c0_i32_0 : i32, i32
  }
  func.func @transform_4(%arg0: i32) -> (i32, i32) {
    %c0_i32 = arith.constant 0 : i32
    %c0_i32_0 = arith.constant 0 : i32
    %c0_i32_1 = arith.constant 0 : i32
    return %c0_i32, %c0_i32_0 : i32, i32
  }
}

</mosaic_0001>

<sc_bundles>
// kernel: kernel.4.cloned.1.call-start
scs
__scs_entry_jumppad:
0x0: {  	(pc) =	sbr.rel $0x88, $3  }
0x1: {  	(tag) =	ssettag $0x0;
	lr =	simm.s32 $0x1  }
0x2: {  	[smem:$0x3F9F] =	sst lr;
	_ =	strace $0xD0000000  }
0x3: {  	_ = 	snop  }
0x4: {  	_ = 	snop  }
0x5: {  	_ = 	snop  }
0x6: {  	_ = 	snop  }
0x7: {  	_ = 	snop  }
__scs_overlays_trampoline_lowered:
0x8: {  	[smem:$0x3FAE] =	sst s0  }
0x9: {  	[smem:$0x3FAF] =	sst s1  }
0xa: {  	[smem:$0x3FB0] =	sst s2  }
0xb: {  	[smem:$0x3FB1] =	sst s3  }
0xc: {  	[smem:$0x3FB2] =	sst s4  }
0xd: {  	[smem:$0x3FB3] =	sst s5  }
0xe: {  	[smem:$0x3FB4] =	sst s6  }
0xf: {  	[smem:$0x3FB5] =	sst s7  }
0x10: {  	[smem:$0x3FB6] =	sst s8  }
0x11: {  	[smem:$0x3FB7] =	sst s9;
	s0 =	simm.s32 @!p0 $0x0  }
0x12: {  	s1 =	sld [smem:$0x3F9D];
	s0 =	simm.s32 @p0 $0x1  }
0x13: {  	[smem:$0x3FB8] =	sst s0;
	s0 =	simm.s32 @!p1 $0x0  }
0x14: {  	s2 =	sld [smem:$0x3F9C];
	s0 =	simm.s32 @p1 $0x1  }
0x15: {  	[smem:$0x3FB9] =	sst s0;
	s0 =	simm.s32 @!p2 $0x0  }
0x16: {  	s3 =	sld [smem:$0x3FDB];
	s0 =	simm.s32 @p2 $0x1  }
0x17: {  	s4 =	simm.s32 $0x1BF5;
	[smem:$0x3FBB] =	sst s0  }
0x18: {  	s0 =	sld [smem:$0x3F9E];
	_ =	swait.ge [sflag:s4], $0x0  }
0x19: {  	s7 =	sld [smem:$0x3F9F]  }
0x1a: {  	s8 =	sadd.s32 $0xFFFFE003, lr  }
0x1b: {  	s9 =	sadd.s32 $0xFFFFFEF7, lr;
	s5 =	simm.s32 $0xFFFFFFFF;
	p2 =	slt.u32 s8, $0xFFFFF086  }
0x1c: {  	p1 =	slt.u32 s9, $0xF7A;
	s5 =	simm.s32 @!p2 $0x0  }
0x1d: {  	s5 =	simm.s32 @p1 $0x1;
	p0 =	seq.s32 s7, s2  }
0x1e: {  	s7 =	smul.u32 @!p0 $0xF7A, s2;
	p2 =	seq.s32 @!p0 s5, $0x0  }
0x1f: {  	s9 =	smul.u32 $0xF7A, s1;
	s8 =	simm.s32 @!p0 $0x1BF5;
	p2 =	por !p2, p0  }
0x20: {  	[sflag:s8] =	ssyncset.s32 @!p0 $0xFFFFF086;
	s6 =	sadd.s32 @!p0 s3, s7;
	s7 =	simm.s32 @!p0 $0x108  }
0x21: {  	s3 =	sadd.s32 s3, s9;
	s6 =	sadd.s32 @!p0 $0x88, s6;
	s7 =	simm.s32 @p2 $0x1082  }
0x22: {  	[simem:s7], [sflag:s8] =	dma.local @!p0 [hbm:s6], $0xF7A  }
0x23: {  	s9 =	sor.u32 $0xD0000000, s2;
	s6 =	simm.s32 $0x108;
	_ =	swait.ge @!p0 [sflag:s8], $0x0  }
0x24: {  	s3 =	sadd.s32 $0x88, s3;
	s6 =	simm.s32 @!p1 $0x1082;
	[sflag:s4] =	ssyncset.s32 $0xFFFFF086  }
0x25: {  	[simem:s6], [sflag:s4] =	dma.local [hbm:s3], $0xF7A  }
0x26: {  	[smem:$0x3F9F] =	sst s1;
	(tag) =	ssettag s2;
	_ =	strace s9  }
0x27: {  	s1 =	sld [smem:$0x3FAF]  }
0x28: {  	s2 =	sld [smem:$0x3FB0]  }
0x29: {  	s4 =	sld [smem:$0x3FB2]  }
0x2a: {  	p0 =	seq.s32 s5, $0x0;
	s5 =	sld [smem:$0x3FB3]  }
0x2b: {  	s6 =	sld [smem:$0x3FB4]  }
0x2c: {  	s7 =	sld [smem:$0x3FB5]  }
0x2d: {  	s3 =	simm.s32 $0x108;
	s8 =	sld [smem:$0x3FB6]  }
0x2e: {  	s3 =	simm.s32 @!p0 $0x1082;
	s9 =	sld [smem:$0x3FB7]  }
0x2f: {  	lr =	sadd.s32 s0, s3;
	s0 =	sld [smem:$0x3FAE]  }
0x30: {  	s3 =	sld [smem:$0x3FB1]  }
0x31: {  	[smem:$0x3FBA] =	sst s10  }
0x32: {  	s10 =	sld [smem:$0x3FB8];
	_ =	sdelay $0x3  }
0x33: {  	p0 =	seq.s32 s10, $0x1;
	s10 =	sld [smem:$0x3FBA];
	_ =	sdelay $0x3  }
0x34: {  	[smem:$0x3FBA] =	sst s10  }
0x35: {  	s10 =	sld [smem:$0x3FB9];
	_ =	sdelay $0x3  }
0x36: {  	p1 =	seq.s32 s10, $0x1;
	s10 =	sld [smem:$0x3FBA];
	_ =	sdelay $0x3  }
0x37: {  	[smem:$0x3FBA] =	sst s10  }
0x38: {  	s10 =	sld [smem:$0x3FBB]  }
0x39: {  	_ = 	snop;
	(pc) =	sbr.ind lr, $3  }
0x3a: {  	_ = 	snop  }
0x3b: {  	_ = 	snop  }
0x3c: {  	p2 =	seq.s32 s10, $0x1;
	s10 =	sld [smem:$0x3FBA]  }
0x3d: {  	_ =	shalt  }
0x3e: {  	_ =	shalt  }
0x3f: {  	_ =	shalt  }
0x40: {  	_ =	shalt  }
0x41: {  	_ =	shalt  }
0x42: {  	_ =	shalt  }
0x43: {  	_ =	shalt  }
0x44: {  	_ =	shalt  }
0x45: {  	_ =	shalt  }
0x46: {  	_ =	shalt  }
0x47: {  	_ =	shalt  }
0x48: {  	_ =	shalt  }
0x49: {  	_ =	shalt  }
0x4a: {  	_ =	shalt  }
0x4b: {  	_ =	shalt  }
0x4c: {  	_ =	shalt  }
0x4d: {  	_ =	shalt  }
0x4e: {  	_ =	shalt  }
0x4f: {  	_ =	shalt  }
0x50: {  	_ =	shalt  }
0x51: {  	_ =	shalt  }
0x52: {  	_ =	shalt  }
0x53: {  	_ =	shalt  }
0x54: {  	_ =	shalt  }
0x55: {  	_ =	shalt  }
0x56: {  	_ =	shalt  }
0x57: {  	_ =	shalt  }
0x58: {  	_ =	shalt  }
0x59: {  	_ =	shalt  }
0x5a: {  	_ =	shalt  }
0x5b: {  	_ =	shalt  }
0x5c: {  	_ =	shalt  }
0x5d: {  	_ =	shalt  }
0x5e: {  	_ =	shalt  }
0x5f: {  	_ =	shalt  }
0x60: {  	_ =	shalt  }
0x61: {  	_ =	shalt  }
0x62: {  	_ =	shalt  }
0x63: {  	_ =	shalt  }
0x64: {  	_ =	shalt  }
0x65: {  	_ =	shalt  }
0x66: {  	_ =	shalt  }
0x67: {  	_ =	shalt  }
0x68: {  	_ =	shalt  }
0x69: {  	_ =	shalt  }
0x6a: {  	_ =	shalt  }
0x6b: {  	_ =	shalt  }
0x6c: {  	_ =	shalt  }
0x6d: {  	_ =	shalt  }
0x6e: {  	_ =	shalt  }
0x6f: {  	_ =	shalt  }
0x70: {  	_ =	shalt  }
0x71: {  	_ =	shalt  }
0x72: {  	_ =	shalt  }
0x73: {  	_ =	shalt  }
0x74: {  	_ =	shalt  }
0x75: {  	_ =	shalt  }
0x76: {  	_ =	shalt  }
0x77: {  	_ =	shalt  }
0x78: {  	_ =	shalt  }
0x79: {  	_ =	shalt  }
0x7a: {  	_ =	shalt  }
0x7b: {  	_ =	shalt  }
0x7c: {  	_ =	shalt  }
0x7d: {  	_ =	shalt  }
0x7e: {  	_ =	shalt  }
0x7f: {  	_ =	shalt  }
0x80: {  	_ =	shalt  }
0x81: {  	_ =	shalt  }
0x82: {  	_ =	shalt  }
0x83: {  	_ =	shalt  }
0x84: {  	_ =	shalt  }
0x85: {  	_ =	shalt  }
0x86: {  	_ =	shalt  }
0x87: {  	_ =	shalt  }
.Lfunc_end0:
.L_simem_size_0:
called_computation_lowered:
.L_overlay_start_0:
0x88: {  	s2 =	sld [smem:$0x3FD9]  }
0x89: {  	s3 =	sld [smem:$0x3FFE];
	_ =	sdelay $0x1  }
0x8a: {  	s1 =	srdreg.scid  }
0x8b: {  	s0 =	sand.u32 $0x1, s1  }
0x8c: {  	s14 =	sshll.u32 s0, $0xA;
	s2 =	sadd.s32 s3, s2  }
0x8d: {  	s2 =	sadd.s32 s2, s14  }
0x8e: {  	[smem:$0x3FC6] =	sst s2  }
0x8f: {  	_ = 	snop  }
0x90: {  	s2 =	sld [smem:$0x3FD0];
	_ =	sdelay $0x2  }
0x91: {  	s15 =	simm.s32 $0xA;
	s4 =	simm.s32 $0x10  }
0x92: {  	[smem:s4], [sflag:s15] =	dma.local [hbm:s2], $0x1  }
0x93: {  	_ =	swait.eq [sflag:s15], $0x1  }
0x94: {  	[sflag:s15] =	ssyncset.done $0x0  }
0x95: {  	s16 =	sld [smem:$0x10];
	[sflag:s15] =	ssyncadd.s32 $0xFFFFFFFF  }
0x96: {  	s17 =	sld [smem:$0x14];
	(tm) =	ssettm $0x1  }
0x97: {  	s18 =	sld [smem:$0x3FFB];
	_ =	sdelay $0x3  }
0x98: {  	_ =	strace s18  }
0x99: {  	s4 =	sld [smem:$0x3FFC];
	_ =	sdelay $0x3  }
0x9a: {  	_ =	strace s4  }
0x9b: {  	s4 =	sld [smem:$0x3FFD];
	_ =	sdelay $0x3  }
0x9c: {  	_ =	strace s4  }
0x9d: {  	_ =	strace $0x8FFFFFFF  }
0x9e: {  	s19 =	sld [smem:$0x3FDB];
	_ =	sdelay $0x1  }
0x9f: {  	s5 =	simm.s32 $_scs_section_size  }
0xa0: {  	s6 =	simm.s32 $_size__tile_overlayer_lowered;
	s7 =	simm.s32 $_tile_overlayer_lowered  }
0xa1: {  	s22 =	simm.s32 $0x1BFF;
	s21 =	sshll.u32 s7, $0x1;
	s4 =	sadd.s32 s5, s19  }
0xa2: {  	s8 =	simm.s32 $0x0;
	s20 =	sshll.u32 s6, $0x1;
	s6 =	sadd.s32 s21, s4  }
0xa3: {  	[timem:s8], [sflag:s22] =	dma.local [hbm:s6], s20  }
0xa4: {  	_ =	swait.ge [sflag:s22], s20  }
0xa5: {  	s5 =	ssub.s32 $0x0, s20;
	[sflag:s22] =	ssyncset.done $0x0  }
0xa6: {  	[sflag:s22] =	ssyncadd.s32 s5;
	_ =	sdelay $0x1  }
0xa7: {  	s23 =	simm.s32 $0x1B8B  }
0xa8: {  	_ =	swait.ge [sflag:s23], $0x1  }
0xa9: {  	[sflag:s23] =	ssyncset.done $0x0  }
0xaa: {  	s25 =	simm.s32 $0x1B8E;
	s24 =	sld [smem:$0x3FFE];
	[sflag:s23] =	ssyncadd.s32 $0xFFFFFFFF  }
0xab: {  	s26 =	simm.s32 $execute0_lowered;
	[smem:$0x3FD2] =	sst s25  }
0xac: {  	s6 =	sshll.u32 s26, $0x1;
	_ =	strace $0x80000046;
	[dreg:$0x1] =	wrdreg $0xFFFFFFFF  }
0xad: {  	s28 =	simm.s32 $_size_execute0_lowered;
	s4 =	sadd.s32 s4, s6;
	[dreg:$0x0] =	wrdreg $0x0  }
0xae: {  	s6 =	sshll.u32 s28, $0x1;
	[dreg:$0x2] =	wrdreg s4  }
0xaf: {  	[dreg:$0x3] =	wrdreg s6  }
0xb0: {  	[dreg:$0x4] =	wrdreg $0xC0  }
0xb1: {  	_ =	task [dreg:s8], $0x5FFFF  }
0xb2: {  	[dreg:$0x1] =	wrdreg $0xFFFFFFFF  }
0xb3: {  	[dreg:$0x0] =	wrdreg $0x60  }
0xb4: {  	[dreg:$0x2] =	wrdreg s24  }
0xb5: {  	[dreg:$0x3] =	wrdreg s17  }
0xb6: {  	[dreg:$0x4] =	wrdreg s16  }
0xb7: {  	[dreg:$0x5] =	wrdreg $0x9  }
0xb8: {  	_ =	task.clear_ibuf [dreg:s8], $0x6FFFF;
	_ =	strace $0x90000046  }
0xb9: {  	s29 =	simm.s32 $0x9;
	_ =	strace $0x80000048  }
0xba: {  	_ =	swait.ge [sflag:s29], $0x1  }
0xbb: {  	[sflag:s29] =	ssyncadd.s32 $0xFFFFFFFF  }
0xbc: {  	_ =	strace $0x90000048  }
0xbd: {  	_ =	sfence  }
0xbe: {  	s30 =	sld [smem:$0x0];
	_ =	sdelay $0x2  }
0xbf: {  	s31 =	sshll.u32 s1, $0xD;
	s1 =	sshrl.u32 s1, $0x2  }
0xc0: {  	s3 =	sand.u32 $0x4000, s31;
	s1 =	sadd.s32 s1, s30  }
0xc1: {  	s0 =	sor.u32 s3, s0;
	s1 =	sshll.u32 s1, $0x11  }
0xc2: {  	s0 =	sor.u32 s1, s0  }
0xc3: {  	s0 =	sadd.s32 $0x8F2B, s0  }
0xc4: {  	[sflag:s0] =	ssyncadd.remote.s32 $0x1  }
0xc5: {  	_ =	sfence.sel $0xFFFF  }
0xc6: {  	[dreg:$0x0] =	wrdreg $0xFFFFFFFF;
	(pc) =	sbr.abs _section_cstart, $3  }
0xc7: {  	[dreg:$0x1] =	wrdreg $0xFFFFFFFF  }
0xc8: {  	_ =	task.clear_ibuf [dreg:s8], $0x2FFFF;
	_ =	strace $0x9FFFFFFF  }
0xc9: {  	(tm) =	ssettm $0x7FFFFFFF  }
tec
execute0_lowered:
.L_overlay_start_1:
0x0: {  	(tag) =	ssettag $0x1  }
0x1: {  	s1 =	srdreg.scid  }
0x2: {  	s5 =	rddreg [dreg:$0x0];
	s0 =	stileid.u32;
	s1 =	sand.u32 $0x1, s1  }
0x3: {  	s3 =	rddreg [dreg:$0x1];
	s6 =	sshll.u32 s0, $0xC;
	s7 =	sshll.u32 s1, $0xB  }
0x4: {  	s4 =	rddreg [dreg:$0x2];
	s6 =	sor.u32 s7, s6  }
0x5: {  	s2 =	simm.s32 $0x0;
	s7 =	sshrl.u32 s6, $0x3;
	s6 =	sshll.u32 s6, $0x3  }
0x6: {  	[smem:$0x7FF] =	sst s2;
	s7 =	sadd.s32 s3, s7;
	s3 =	sadd.s32 s4, s6  }
0x7: {  	_ =	strace $0x80000047;
	[dreg:$0x4] =	wrdreg s7;
	s4 =	sadd.s32 $0x400, s3  }
0x8: {  	s16 =	sadd.s32 $0x800, s3;
	[dreg:$0x5] =	wrdreg s4  }
0x9: {  	s17 =	sadd.s32 $0xC00, s3;
	[dreg:$0x6] =	wrdreg s16  }
0xa: {  	s18 =	sadd.s32 $0x1000, s3;
	[dreg:$0x7] =	wrdreg s17  }
0xb: {  	s19 =	sadd.s32 $0x1400, s3;
	[dreg:$0x8] =	wrdreg s18  }
0xc: {  	s20 =	sadd.s32 $0x1800, s3;
	[dreg:$0x9] =	wrdreg s19  }
0xd: {  	s21 =	sadd.s32 $0x1C00, s3;
	[dreg:$0xa] =	wrdreg s20  }
0xe: {  	s22 =	sadd.s32 $0x2000, s3;
	[dreg:$0xb] =	wrdreg s21  }
0xf: {  	s23 =	sadd.s32 $0x2400, s3;
	[dreg:$0xc] =	wrdreg s22  }
0x10: {  	[dreg:$0xd] =	wrdreg s23  }
0x11: {  	s24 =	sadd.s32 $0x2800, s3;
	s25 =	rddreg [dreg:$0x4]  }
0x12: {  	s26 =	sadd.s32 $0x2C00, s3;
	[dreg:$0xe] =	wrdreg s24  }
0x13: {  	[dreg:$0xf] =	wrdreg s26;
	s4 =	simm.s32 $0x5  }
0x14: {  	[tilespmem:s2], [sflag:$0x5] =	stream.linear.gather [hbm4b:s25+s2], $0x800, $0x38;
	[tilespmem:$0x4800] =	vst v63  }
0x15: {  	_ =	swait.ge [sflag:s4], $0x800  }
0x16: {  	s5 =	sadd.s32 $0x100400, s5;
	[sflag:s4] =	ssyncset.done $0x0  }
0x17: {  	s6 =	simm.s32 $0x80;
	s7 =	simm.s32 $0x800;
	[sflag:s4] =	ssyncadd.s32 $0xFFFFF800  }
0x18: {  	[tilespmem:s7], [sflag:$0x1] =	stream.indirect.gather [hbm4b:s5+s6], $0x40, s2, s6, $0xb8;
	[tilespmem:$0x4800] =	vst v63  }
0x19: {  	s8 =	simm.s32 $0x2800;
	s9 =	simm.s32 $0x1  }
0x1a: {  	[tilespmem:s8], [sflag:$0x2] =	stream.indirect.gather [hbm4b:s5+s6], $0x40, s6, s6, $0xb8;
	[tilespmem:$0x4800] =	vst v63  }
0x1b: {  	_ =	swait.ge [sflag:s9], $0x2000  }
0x1c: {  	[sflag:s9] =	ssyncset.done $0x0  }
0x1d: {  	s10 =	simm.s32 $0x3;
	[sflag:s9] =	ssyncadd.s32 $0xFFFFE000  }
0x1e: {  	[hbm4b:s3+s2] =	stream.linear.scatter [tilespmem:s7], [sflag:$0x3], $0x2000, $0x38;
	[tilespmem:$0x4800] =	vst v63  }
0x1f: {  	_ =	swait.ge [sflag:s10], $0x2000  }
0x20: {  	[sflag:s10] =	ssyncset.done $0x0  }
0x21: {  	s11 =	simm.s32 $0x100;
	s12 =	simm.s32 $0x2;
	[sflag:s10] =	ssyncadd.s32 $0xFFFFE000  }
0x22: {  	[tilespmem:s7], [sflag:$0x1] =	stream.indirect.gather [hbm4b:s5+s6], $0x40, s11, s6, $0xb8;
	[tilespmem:$0x4800] =	vst v63  }
0x23: {  	_ =	swait.ge [sflag:s12], $0x2000  }
0x24: {  	[sflag:s12] =	ssyncset.done $0x0  }
0x25: {  	s13 =	simm.s32 $0x4;
	s14 =	rddreg [dreg:$0x5];
	[sflag:s12] =	ssyncadd.s32 $0xFFFFE000  }
0x26: {  	[hbm4b:s14+s2] =	stream.linear.scatter [tilespmem:s8], [sflag:$0x4], $0x2000, $0x38;
	[tilespmem:$0x4800] =	vst v63  }
0x27: {  	_ =	swait.ge [sflag:s13], $0x2000  }
0x28: {  	[sflag:s13] =	ssyncset.done $0x0  }
0x29: {  	s14 =	simm.s32 $0x180;
	[sflag:s13] =	ssyncadd.s32 $0xFFFFE000  }
0x2a: {  	[tilespmem:s8], [sflag:$0x2] =	stream.indirect.gather [hbm4b:s5+s6], $0x40, s14, s6, $0xb8;
	[tilespmem:$0x4800] =	vst v63  }
0x2b: {  	_ =	swait.ge [sflag:s9], $0x2000  }
0x2c: {  	[sflag:s9] =	ssyncset.done $0x0  }
0x2d: {  	s15 =	rddreg [dreg:$0x6];
	[sflag:s9] =	ssyncadd.s32 $0xFFFFE000  }
0x2e: {  	[hbm4b:s15+s2] =	stream.linear.scatter [tilespmem:s7], [sflag:$0x3], $0x2000, $0x38;
	[tilespmem:$0x4800] =	vst v63  }
0x2f: {  	_ =	swait.ge [sflag:s10], $0x2000  }
0x30: {  	[sflag:s10] =	ssyncset.done $0x0  }
0x31: {  	s15 =	simm.s32 $0x200;
	[sflag:s10] =	ssyncadd.s32 $0xFFFFE000  }
0x32: {  	[tilespmem:s7], [sflag:$0x1] =	stream.indirect.gather [hbm4b:s5+s6], $0x40, s15, s6, $0xb8;
	[tilespmem:$0x4800] =	vst v63  }
0x33: {  	_ =	swait.ge [sflag:s12], $0x2000  }
0x34: {  	[sflag:s12] =	ssyncset.done $0x0  }
0x35: {  	s16 =	rddreg [dreg:$0x7];
	[sflag:s12] =	ssyncadd.s32 $0xFFFFE000  }
0x36: {  	[hbm4b:s16+s2] =	stream.linear.scatter [tilespmem:s8], [sflag:$0x4], $0x2000, $0x38;
	[tilespmem:$0x4800] =	vst v63  }
0x37: {  	_ =	swait.ge [sflag:s13], $0x2000  }
0x38: {  	[sflag:s13] =	ssyncset.done $0x0  }
0x39: {  	s16 =	simm.s32 $0x280;
	[sflag:s13] =	ssyncadd.s32 $0xFFFFE000  }
0x3a: {  	[tilespmem:s8], [sflag:$0x2] =	stream.indirect.gather [hbm4b:s5+s6], $0x40, s16, s6, $0xb8;
	[tilespmem:$0x4800] =	vst v63  }
0x3b: {  	_ =	swait.ge [sflag:s9], $0x2000  }
0x3c: {  	[sflag:s9] =	ssyncset.done $0x0  }
0x3d: {  	s17 =	rddreg [dreg:$0x8];
	[sflag:s9] =	ssyncadd.s32 $0xFFFFE000  }
0x3e: {  	[hbm4b:s17+s2] =	stream.linear.scatter [tilespmem:s7], [sflag:$0x3], $0x2000, $0x38;
	[tilespmem:$0x4800] =	vst v63  }
0x3f: {  	_ =	swait.ge [sflag:s10], $0x2000  }
0x40: {  	[sflag:s10] =	ssyncset.done $0x0  }
0x41: {  	s17 =	simm.s32 $0x300;
	[sflag:s10] =	ssyncadd.s32 $0xFFFFE000  }
0x42: {  	[tilespmem:s7], [sflag:$0x1] =	stream.indirect.gather [hbm4b:s5+s6], $0x40, s17, s6, $0xb8;
	[tilespmem:$0x4800] =	vst v63  }
0x43: {  	_ =	swait.ge [sflag:s12], $0x2000  }
0x44: {  	[sflag:s12] =	ssyncset.done $0x0  }
0x45: {  	s18 =	rddreg [dreg:$0x9];
	[sflag:s12] =	ssyncadd.s32 $0xFFFFE000  }
0x46: {  	[hbm4b:s18+s2] =	stream.linear.scatter [tilespmem:s8], [sflag:$0x4], $0x2000, $0x38;
	[tilespmem:$0x4800] =	vst v63  }
0x47: {  	_ =	swait.ge [sflag:s13], $0x2000  }
0x48: {  	[sflag:s13] =	ssyncset.done $0x0  }
0x49: {  	s18 =	simm.s32 $0x380;
	[sflag:s13] =	ssyncadd.s32 $0xFFFFE000  }
0x4a: {  	[tilespmem:s8], [sflag:$0x2] =	stream.indirect.gather [hbm4b:s5+s6], $0x40, s18, s6, $0xb8;
	[tilespmem:$0x4800] =	vst v63  }
0x4b: {  	_ =	swait.ge [sflag:s9], $0x2000  }
0x4c: {  	[sflag:s9] =	ssyncset.done $0x0  }
0x4d: {  	s19 =	rddreg [dreg:$0xa];
	[sflag:s9] =	ssyncadd.s32 $0xFFFFE000  }
0x4e: {  	[hbm4b:s19+s2] =	stream.linear.scatter [tilespmem:s7], [sflag:$0x3], $0x2000, $0x38;
	[tilespmem:$0x4800] =	vst v63  }
0x4f: {  	_ =	swait.ge [sflag:s10], $0x2000  }
0x50: {  	[sflag:s10] =	ssyncset.done $0x0  }
0x51: {  	s19 =	simm.s32 $0x400;
	[sflag:s10] =	ssyncadd.s32 $0xFFFFE000  }
0x52: {  	[tilespmem:s7], [sflag:$0x1] =	stream.indirect.gather [hbm4b:s5+s6], $0x40, s19, s6, $0xb8;
	[tilespmem:$0x4800] =	vst v63  }
0x53: {  	_ =	swait.ge [sflag:s12], $0x2000  }
0x54: {  	[sflag:s12] =	ssyncset.done $0x0  }
0x55: {  	s20 =	rddreg [dreg:$0xb];
	[sflag:s12] =	ssyncadd.s32 $0xFFFFE000  }
0x56: {  	[hbm4b:s20+s2] =	stream.linear.scatter [tilespmem:s8], [sflag:$0x4], $0x2000, $0x38;
	[tilespmem:$0x4800] =	vst v63  }
0x57: {  	_ =	swait.ge [sflag:s13], $0x2000  }
0x58: {  	[sflag:s13] =	ssyncset.done $0x0  }
0x59: {  	s20 =	simm.s32 $0x480;
	[sflag:s13] =	ssyncadd.s32 $0xFFFFE000  }
0x5a: {  	[tilespmem:s8], [sflag:$0x2] =	stream.indirect.gather [hbm4b:s5+s6], $0x40, s20, s6, $0xb8;
	[tilespmem:$0x4800] =	vst v63  }
0x5b: {  	_ =	swait.ge [sflag:s9], $0x2000  }
0x5c: {  	[sflag:s9] =	ssyncset.done $0x0  }
0x5d: {  	s21 =	rddreg [dreg:$0xc];
	[sflag:s9] =	ssyncadd.s32 $0xFFFFE000  }
0x5e: {  	[hbm4b:s21+s2] =	stream.linear.scatter [tilespmem:s7], [sflag:$0x3], $0x2000, $0x38;
	[tilespmem:$0x4800] =	vst v63  }
0x5f: {  	_ =	swait.ge [sflag:s10], $0x2000  }
0x60: {  	[sflag:s10] =	ssyncset.done $0x0  }
0x61: {  	s21 =	simm.s32 $0x500;
	[sflag:s10] =	ssyncadd.s32 $0xFFFFE000  }
0x62: {  	[tilespmem:s7], [sflag:$0x1] =	stream.indirect.gather [hbm4b:s5+s6], $0x40, s21, s6, $0xb8;
	[tilespmem:$0x4800] =	vst v63  }
0x63: {  	_ =	swait.ge [sflag:s12], $0x2000  }
0x64: {  	[sflag:s12] =	ssyncset.done $0x0  }
0x65: {  	s22 =	rddreg [dreg:$0xd];
	[sflag:s12] =	ssyncadd.s32 $0xFFFFE000  }
0x66: {  	[hbm4b:s22+s2] =	stream.linear.scatter [tilespmem:s8], [sflag:$0x4], $0x2000, $0x38;
	[tilespmem:$0x4800] =	vst v63  }
0x67: {  	_ =	swait.ge [sflag:s13], $0x2000  }
0x68: {  	[sflag:s13] =	ssyncset.done $0x0  }
0x69: {  	s22 =	simm.s32 $0x580;
	[sflag:s13] =	ssyncadd.s32 $0xFFFFE000  }
0x6a: {  	[tilespmem:s8], [sflag:$0x2] =	stream.indirect.gather [hbm4b:s5+s6], $0x40, s22, s6, $0xb8;
	[tilespmem:$0x4800] =	vst v63  }
0x6b: {  	_ =	swait.ge [sflag:s9], $0x2000  }
0x6c: {  	[sflag:s9] =	ssyncset.done $0x0  }
0x6d: {  	s23 =	rddreg [dreg:$0xe];
	[sflag:s9] =	ssyncadd.s32 $0xFFFFE000  }
0x6e: {  	[hbm4b:s23+s2] =	stream.linear.scatter [tilespmem:s7], [sflag:$0x3], $0x2000, $0x38;
	[tilespmem:$0x4800] =	vst v63  }
0x6f: {  	_ =	swait.ge [sflag:s10], $0x2000  }
0x70: {  	[sflag:s10] =	ssyncset.done $0x0  }
0x71: {  	s23 =	simm.s32 $0x600;
	[sflag:s10] =	ssyncadd.s32 $0xFFFFE000  }
0x72: {  	[tilespmem:s7], [sflag:$0x1] =	stream.indirect.gather [hbm4b:s5+s6], $0x40, s23, s6, $0xb8;
	[tilespmem:$0x4800] =	vst v63  }
0x73: {  	_ =	swait.ge [sflag:s12], $0x2000  }
0x74: {  	[sflag:s12] =	ssyncset.done $0x0  }
0x75: {  	s24 =	rddreg [dreg:$0xf];
	[sflag:s12] =	ssyncadd.s32 $0xFFFFE000  }
0x76: {  	[hbm4b:s24+s2] =	stream.linear.scatter [tilespmem:s8], [sflag:$0x4], $0x2000, $0x38;
	[tilespmem:$0x4800] =	vst v63  }
0x77: {  	_ =	swait.ge [sflag:s13], $0x2000  }
0x78: {  	[sflag:s13] =	ssyncset.done $0x0  }
0x79: {  	s24 =	simm.s32 $0x680;
	[sflag:s13] =	ssyncadd.s32 $0xFFFFE000  }
0x7a: {  	[tilespmem:s8], [sflag:$0x2] =	stream.indirect.gather [hbm4b:s5+s6], $0x40, s24, s6, $0xb8;
	[tilespmem:$0x4800] =	vst v63  }
0x7b: {  	_ =	swait.ge [sflag:s9], $0x2000  }
0x7c: {  	[sflag:s9] =	ssyncset.done $0x0  }
0x7d: {  	s25 =	sadd.s32 $0x3000, s3;
	[sflag:s9] =	ssyncadd.s32 $0xFFFFE000  }
0x7e: {  	[hbm4b:s25+s2] =	stream.linear.scatter [tilespmem:s7], [sflag:$0x3], $0x2000, $0x38;
	[tilespmem:$0x4800] =	vst v63  }
0x7f: {  	_ =	swait.ge [sflag:s10], $0x2000  }
0x80: {  	[sflag:s10] =	ssyncset.done $0x0  }
0x81: {  	s26 =	simm.s32 $0x700;
	[sflag:s10] =	ssyncadd.s32 $0xFFFFE000  }
0x82: {  	[tilespmem:s7], [sflag:$0x1] =	stream.indirect.gather [hbm4b:s5+s6], $0x40, s26, s6, $0xb8;
	[tilespmem:$0x4800] =	vst v63  }
0x83: {  	_ =	swait.ge [sflag:s12], $0x2000  }
0x84: {  	[sflag:s12] =	ssyncset.done $0x0  }
0x85: {  	s28 =	sadd.s32 $0x3400, s3;
	[sflag:s12] =	ssyncadd.s32 $0xFFFFE000  }
0x86: {  	[hbm4b:s28+s2] =	stream.linear.scatter [tilespmem:s8], [sflag:$0x4], $0x2000, $0x38;
	[tilespmem:$0x4800] =	vst v63  }
0x87: {  	_ =	swait.ge [sflag:s13], $0x2000  }
0x88: {  	[sflag:s13] =	ssyncset.done $0x0  }
0x89: {  	s29 =	simm.s32 $0x780;
	[sflag:s13] =	ssyncadd.s32 $0xFFFFE000  }
0x8a: {  	[tilespmem:s8], [sflag:$0x2] =	stream.indirect.gather [hbm4b:s5+s6], $0x40, s29, s6, $0xb8;
	[tilespmem:$0x4800] =	vst v63  }
0x8b: {  	_ =	swait.ge [sflag:s9], $0x2000  }
0x8c: {  	s1 =	ssub.s32 $0x2, s1;
	[sflag:s9] =	ssyncset.done $0x0  }
0x8d: {  	s0 =	sshrl.u32 s1, $0x1;
	s30 =	sadd.s32 $0x3800, s3;
	[sflag:s9] =	ssyncadd.s32 $0xFFFFE000  }
0x8e: {  	[hbm4b:s30+s2] =	stream.linear.scatter [tilespmem:s7], [sflag:$0x3], $0x2000, $0x38;
	[tilespmem:$0x4800] =	vst v63  }
0x8f: {  	s0 =	ssub.s32 s1, s0;
	_ =	swait.ge [sflag:s12], $0x2000  }
0x90: {  	s0 =	smax.u32 s0, $0x1;
	[sflag:s12] =	ssyncset.done $0x0  }
0x91: {  	s31 =	sadd.s32 $0x3C00, s3;
	p0 =	sne.s32 s0, $0x1;
	[sflag:s12] =	ssyncadd.s32 $0xFFFFE000  }
0x92: {  	[hbm4b:s31+s2] =	stream.linear.scatter [tilespmem:s8], [sflag:$0x4], $0x2000, $0x38;
	[tilespmem:$0x4800] =	vst v63  }
.Ltmp0:
0x93: {  	_ =	swait.ge [sflag:s10], $0x2000;
	(pc) =	sbr.rel @!p0 .LBB2_2-.Ltmp0, $4  }
0x94: {  	[sflag:s10] =	ssyncset.done $0x0  }
0x95: {  	[sflag:s10] =	ssyncadd.s32 $0xFFFFE000  }
0x96: {  	_ =	swait.ge [sflag:s13], $0x2000  }
0x97: {  	s1 =	sadd.s32 $0xFFFFFFFF, s0;
	[sflag:s13] =	ssyncset.done $0x0  }
.LBB2_1:
0x98: {  	s0 =	rddreg [dreg:$0x4];
	[sflag:s13] =	ssyncadd.s32 $0xFFFFE000  }
0x99: {  	[tilespmem:s2], [sflag:$0x5] =	stream.linear.gather [hbm4b:s0+s2], $0x800, $0x38;
	[tilespmem:$0x4800] =	vst v63  }
0x9a: {  	_ =	swait.ge [sflag:s4], $0x800  }
0x9b: {  	[sflag:s4] =	ssyncset.done $0x0  }
0x9c: {  	[sflag:s4] =	ssyncadd.s32 $0xFFFFF800  }
0x9d: {  	[tilespmem:s7], [sflag:$0x1] =	stream.indirect.gather [hbm4b:s5+s6], $0x40, s2, s6, $0xb8;
	[tilespmem:$0x4800] =	vst v63  }
0x9e: {  	_ = 	snop  }
0x9f: {  	[tilespmem:s8], [sflag:$0x2] =	stream.indirect.gather [hbm4b:s5+s6], $0x40, s6, s6, $0xb8;
	[tilespmem:$0x4800] =	vst v63  }
0xa0: {  	_ =	swait.ge [sflag:s9], $0x2000  }
0xa1: {  	[sflag:s9] =	ssyncset.done $0x0  }
0xa2: {  	[sflag:s9] =	ssyncadd.s32 $0xFFFFE000  }
0xa3: {  	[hbm4b:s3+s2] =	stream.linear.scatter [tilespmem:s7], [sflag:$0x3], $0x2000, $0x38;
	[tilespmem:$0x4800] =	vst v63  }
0xa4: {  	_ =	swait.ge [sflag:s10], $0x2000  }
0xa5: {  	[sflag:s10] =	ssyncset.done $0x0  }
0xa6: {  	[sflag:s10] =	ssyncadd.s32 $0xFFFFE000  }
0xa7: {  	[tilespmem:s7], [sflag:$0x1] =	stream.indirect.gather [hbm4b:s5+s6], $0x40, s11, s6, $0xb8;
	[tilespmem:$0x4800] =	vst v63  }
0xa8: {  	_ =	swait.ge [sflag:s12], $0x2000  }
0xa9: {  	[sflag:s12] =	ssyncset.done $0x0  }
0xaa: {  	s0 =	rddreg [dreg:$0x5];
	[sflag:s12] =	ssyncadd.s32 $0xFFFFE000  }
0xab: {  	[hbm4b:s0+s2] =	stream.linear.scatter [tilespmem:s8], [sflag:$0x4], $0x2000, $0x38;
	[tilespmem:$0x4800] =	vst v63  }
0xac: {  	_ =	swait.ge [sflag:s13], $0x2000  }
0xad: {  	[sflag:s13] =	ssyncset.done $0x0  }
0xae: {  	[sflag:s13] =	ssyncadd.s32 $0xFFFFE000  }
0xaf: {  	[tilespmem:s8], [sflag:$0x2] =	stream.indirect.gather [hbm4b:s5+s6], $0x40, s14, s6, $0xb8;
	[tilespmem:$0x4800] =	vst v63  }
0xb0: {  	_ =	swait.ge [sflag:s9], $0x2000  }
0xb1: {  	[sflag:s9] =	ssyncset.done $0x0  }
0xb2: {  	s0 =	rddreg [dreg:$0x6];
	[sflag:s9] =	ssyncadd.s32 $0xFFFFE000  }
0xb3: {  	[hbm4b:s0+s2] =	stream.linear.scatter [tilespmem:s7], [sflag:$0x3], $0x2000, $0x38;
	[tilespmem:$0x4800] =	vst v63  }
0xb4: {  	_ =	swait.ge [sflag:s10], $0x2000  }
0xb5: {  	[sflag:s10] =	ssyncset.done $0x0  }
0xb6: {  	[sflag:s10] =	ssyncadd.s32 $0xFFFFE000  }
0xb7: {  	[tilespmem:s7], [sflag:$0x1] =	stream.indirect.gather [hbm4b:s5+s6], $0x40, s15, s6, $0xb8;
	[tilespmem:$0x4800] =	vst v63  }
0xb8: {  	_ =	swait.ge [sflag:s12], $0x2000  }
0xb9: {  	[sflag:s12] =	ssyncset.done $0x0  }
0xba: {  	s0 =	rddreg [dreg:$0x7];
	[sflag:s12] =	ssyncadd.s32 $0xFFFFE000  }
0xbb: {  	[hbm4b:s0+s2] =	stream.linear.scatter [tilespmem:s8], [sflag:$0x4], $0x2000, $0x38;
	[tilespmem:$0x4800] =	vst v63  }
0xbc: {  	_ =	swait.ge [sflag:s13], $0x2000  }
0xbd: {  	[sflag:s13] =	ssyncset.done $0x0  }
0xbe: {  	[sflag:s13] =	ssyncadd.s32 $0xFFFFE000  }
0xbf: {  	[tilespmem:s8], [sflag:$0x2] =	stream.indirect.gather [hbm4b:s5+s6], $0x40, s16, s6, $0xb8;
	[tilespmem:$0x4800] =	vst v63  }
0xc0: {  	_ =	swait.ge [sflag:s9], $0x2000  }
0xc1: {  	[sflag:s9] =	ssyncset.done $0x0  }
0xc2: {  	s0 =	rddreg [dreg:$0x8];
	[sflag:s9] =	ssyncadd.s32 $0xFFFFE000  }
0xc3: {  	[hbm4b:s0+s2] =	stream.linear.scatter [tilespmem:s7], [sflag:$0x3], $0x2000, $0x38;
	[tilespmem:$0x4800] =	vst v63  }
0xc4: {  	_ =	swait.ge [sflag:s10], $0x2000  }
0xc5: {  	[sflag:s10] =	ssyncset.done $0x0  }
0xc6: {  	[sflag:s10] =	ssyncadd.s32 $0xFFFFE000  }
0xc7: {  	[tilespmem:s7], [sflag:$0x1] =	stream.indirect.gather [hbm4b:s5+s6], $0x40, s17, s6, $0xb8;
	[tilespmem:$0x4800] =	vst v63  }
0xc8: {  	_ =	swait.ge [sflag:s12], $0x2000  }
0xc9: {  	[sflag:s12] =	ssyncset.done $0x0  }
0xca: {  	s0 =	rddreg [dreg:$0x9];
	[sflag:s12] =	ssyncadd.s32 $0xFFFFE000  }
0xcb: {  	[hbm4b:s0+s2] =	stream.linear.scatter [tilespmem:s8], [sflag:$0x4], $0x2000, $0x38;
	[tilespmem:$0x4800] =	vst v63  }
0xcc: {  	_ =	swait.ge [sflag:s13], $0x2000  }
0xcd: {  	[sflag:s13] =	ssyncset.done $0x0  }
0xce: {  	[sflag:s13] =	ssyncadd.s32 $0xFFFFE000  }
0xcf: {  	[tilespmem:s8], [sflag:$0x2] =	stream.indirect.gather [hbm4b:s5+s6], $0x40, s18, s6, $0xb8;
	[tilespmem:$0x4800] =	vst v63  }
0xd0: {  	_ =	swait.ge [sflag:s9], $0x2000  }
0xd1: {  	[sflag:s9] =	ssyncset.done $0x0  }
0xd2: {  	s0 =	rddreg [dreg:$0xa];
	[sflag:s9] =	ssyncadd.s32 $0xFFFFE000  }
0xd3: {  	[hbm4b:s0+s2] =	stream.linear.scatter [tilespmem:s7], [sflag:$0x3], $0x2000, $0x38;
	[tilespmem:$0x4800] =	vst v63  }
0xd4: {  	_ =	swait.ge [sflag:s10], $0x2000  }
0xd5: {  	[sflag:s10] =	ssyncset.done $0x0  }
0xd6: {  	[sflag:s10] =	ssyncadd.s32 $0xFFFFE000  }
0xd7: {  	[tilespmem:s7], [sflag:$0x1] =	stream.indirect.gather [hbm4b:s5+s6], $0x40, s19, s6, $0xb8;
	[tilespmem:$0x4800] =	vst v63  }
0xd8: {  	_ =	swait.ge [sflag:s12], $0x2000  }
0xd9: {  	[sflag:s12] =	ssyncset.done $0x0  }
0xda: {  	s0 =	rddreg [dreg:$0xb];
	[sflag:s12] =	ssyncadd.s32 $0xFFFFE000  }
0xdb: {  	[hbm4b:s0+s2] =	stream.linear.scatter [tilespmem:s8], [sflag:$0x4], $0x2000, $0x38;
	[tilespmem:$0x4800] =	vst v63  }
0xdc: {  	_ =	swait.ge [sflag:s13], $0x2000  }
0xdd: {  	[sflag:s13] =	ssyncset.done $0x0  }
0xde: {  	[sflag:s13] =	ssyncadd.s32 $0xFFFFE000  }
0xdf: {  	[tilespmem:s8], [sflag:$0x2] =	stream.indirect.gather [hbm4b:s5+s6], $0x40, s20, s6, $0xb8;
	[tilespmem:$0x4800] =	vst v63  }
0xe0: {  	_ =	swait.ge [sflag:s9], $0x2000  }
0xe1: {  	[sflag:s9] =	ssyncset.done $0x0  }
0xe2: {  	s0 =	rddreg [dreg:$0xc];
	[sflag:s9] =	ssyncadd.s32 $0xFFFFE000  }
0xe3: {  	[hbm4b:s0+s2] =	stream.linear.scatter [tilespmem:s7], [sflag:$0x3], $0x2000, $0x38;
	[tilespmem:$0x4800] =	vst v63  }
0xe4: {  	_ =	swait.ge [sflag:s10], $0x2000  }
0xe5: {  	[sflag:s10] =	ssyncset.done $0x0  }
0xe6: {  	[sflag:s10] =	ssyncadd.s32 $0xFFFFE000  }
0xe7: {  	[tilespmem:s7], [sflag:$0x1] =	stream.indirect.gather [hbm4b:s5+s6], $0x40, s21, s6, $0xb8;
	[tilespmem:$0x4800] =	vst v63  }
0xe8: {  	_ =	swait.ge [sflag:s12], $0x2000  }
0xe9: {  	[sflag:s12] =	ssyncset.done $0x0  }
0xea: {  	s0 =	rddreg [dreg:$0xd];
	[sflag:s12] =	ssyncadd.s32 $0xFFFFE000  }
0xeb: {  	[hbm4b:s0+s2] =	stream.linear.scatter [tilespmem:s8], [sflag:$0x4], $0x2000, $0x38;
	[tilespmem:$0x4800] =	vst v63  }
0xec: {  	_ =	swait.ge [sflag:s13], $0x2000  }
0xed: {  	[sflag:s13] =	ssyncset.done $0x0  }
0xee: {  	[sflag:s13] =	ssyncadd.s32 $0xFFFFE000  }
0xef: {  	[tilespmem:s8], [sflag:$0x2] =	stream.indirect.gather [hbm4b:s5+s6], $0x40, s22, s6, $0xb8;
	[tilespmem:$0x4800] =	vst v63  }
0xf0: {  	_ =	swait.ge [sflag:s9], $0x2000  }
0xf1: {  	[sflag:s9] =	ssyncset.done $0x0  }
0xf2: {  	s0 =	rddreg [dreg:$0xe];
	[sflag:s9] =	ssyncadd.s32 $0xFFFFE000  }
0xf3: {  	[hbm4b:s0+s2] =	stream.linear.scatter [tilespmem:s7], [sflag:$0x3], $0x2000, $0x38;
	[tilespmem:$0x4800] =	vst v63  }
0xf4: {  	_ =	swait.ge [sflag:s10], $0x2000  }
0xf5: {  	[sflag:s10] =	ssyncset.done $0x0  }
0xf6: {  	[sflag:s10] =	ssyncadd.s32 $0xFFFFE000  }
0xf7: {  	[tilespmem:s7], [sflag:$0x1] =	stream.indirect.gather [hbm4b:s5+s6], $0x40, s23, s6, $0xb8;
	[tilespmem:$0x4800] =	vst v63  }
0xf8: {  	_ =	swait.ge [sflag:s12], $0x2000  }
0xf9: {  	[sflag:s12] =	ssyncset.done $0x0  }
0xfa: {  	s0 =	rddreg [dreg:$0xf];
	[sflag:s12] =	ssyncadd.s32 $0xFFFFE000  }
0xfb: {  	[hbm4b:s0+s2] =	stream.linear.scatter [tilespmem:s8], [sflag:$0x4], $0x2000, $0x38;
	[tilespmem:$0x4800] =	vst v63  }
0xfc: {  	_ =	swait.ge [sflag:s13], $0x2000  }
0xfd: {  	[sflag:s13] =	ssyncset.done $0x0  }
0xfe: {  	[sflag:s13] =	ssyncadd.s32 $0xFFFFE000  }
0xff: {  	[tilespmem:s8], [sflag:$0x2] =	stream.indirect.gather [hbm4b:s5+s6], $0x40, s24, s6, $0xb8;
	[tilespmem:$0x4800] =	vst v63  }
0x100: {  	_ =	swait.ge [sflag:s9], $0x2000  }
0x101: {  	[sflag:s9] =	ssyncset.done $0x0  }
0x102: {  	[sflag:s9] =	ssyncadd.s32 $0xFFFFE000  }
0x103: {  	[hbm4b:s25+s2] =	stream.linear.scatter [tilespmem:s7], [sflag:$0x3], $0x2000, $0x38;
	[tilespmem:$0x4800] =	vst v63  }
0x104: {  	_ =	swait.ge [sflag:s10], $0x2000  }
0x105: {  	[sflag:s10] =	ssyncset.done $0x0  }
0x106: {  	[sflag:s10] =	ssyncadd.s32 $0xFFFFE000  }
0x107: {  	[tilespmem:s7], [sflag:$0x1] =	stream.indirect.gather [hbm4b:s5+s6], $0x40, s26, s6, $0xb8;
	[tilespmem:$0x4800] =	vst v63  }
0x108: {  	_ =	swait.ge [sflag:s12], $0x2000  }
0x109: {  	[sflag:s12] =	ssyncset.done $0x0  }
0x10a: {  	[sflag:s12] =	ssyncadd.s32 $0xFFFFE000  }
0x10b: {  	[hbm4b:s28+s2] =	stream.linear.scatter [tilespmem:s8], [sflag:$0x4], $0x2000, $0x38;
	[tilespmem:$0x4800] =	vst v63  }
0x10c: {  	_ =	swait.ge [sflag:s13], $0x2000  }
0x10d: {  	[sflag:s13] =	ssyncset.done $0x0  }
0x10e: {  	[sflag:s13] =	ssyncadd.s32 $0xFFFFE000  }
0x10f: {  	[tilespmem:s8], [sflag:$0x2] =	stream.indirect.gather [hbm4b:s5+s6], $0x40, s29, s6, $0xb8;
	[tilespmem:$0x4800] =	vst v63  }
0x110: {  	_ =	swait.ge [sflag:s9], $0x2000  }
0x111: {  	[sflag:s9] =	ssyncset.done $0x0  }
0x112: {  	[sflag:s9] =	ssyncadd.s32 $0xFFFFE000  }
0x113: {  	[hbm4b:s30+s2] =	stream.linear.scatter [tilespmem:s7], [sflag:$0x3], $0x2000, $0x38;
	[tilespmem:$0x4800] =	vst v63  }
0x114: {  	_ =	swait.ge [sflag:s12], $0x2000  }
0x115: {  	[sflag:s12] =	ssyncset.done $0x0  }
0x116: {  	p0 =	sne.s32 s1, $0x1;
	[sflag:s12] =	ssyncadd.s32 $0xFFFFE000  }
0x117: {  	[hbm4b:s31+s2] =	stream.linear.scatter [tilespmem:s8], [sflag:$0x4], $0x2000, $0x38;
	[tilespmem:$0x4800] =	vst v63  }
.Ltmp1:
0x118: {  	_ =	swait.ge [sflag:s10], $0x2000;
	(pc) =	sbr.rel @p0 .LBB2_1-.Ltmp1, $4  }
0x119: {  	[sflag:s10] =	ssyncset.done $0x0  }
0x11a: {  	[sflag:s10] =	ssyncadd.s32 $0xFFFFE000  }
0x11b: {  	_ =	swait.ge [sflag:s13], $0x2000  }
0x11c: {  	s1 =	sadd.s32 $0xFFFFFFFF, s1;
	[sflag:s13] =	ssyncset.done $0x0  }
.LBB2_2:
0x11d: {  	[sflag:s13] =	ssyncadd.s32 $0xFFFFE000  }
0x11e: {  	_ =	sfence.sel $0x180000  }
0x11f: {  	[bflag:$0x0] =	sbarrier.arrive $0xFFFF  }
0x120: {  	_ =	strace $0x90000047  }
0x121: {  	s0 =	stileid.u32;
	[bflag:$0x2] =	sbarrier.arrive $0xFFFF  }
0x122: {  	p0 =	sne.s32 s0, $0x0;
	s0 =	rddreg [dreg:$0x3]  }
0x123: {  	s0 =	sadd.s32 @!p0 $0x100000, s0  }
0x124: {  	[sflag:s0] =	ssyncadd.tile.s32 @!p0 $0x1;
	_ =	shalt  }
.Lfunc_end2:
_tile_overlayer_lowered:
.L_overlay_start_2:
0x125: {  	(tag) =	ssettag $0x2  }
0x126: {  	s0 =	rddreg [dreg:$0x0];
	s2 =	stileid.u32  }
0x127: {  	s1 =	rddreg [dreg:$0x1];
	p0 =	sne.s32 s2, $0x0  }
0x128: {  	s3 =	rddreg [dreg:$0x2];
	[bflag:$0x3] =	sbarrier.arrive $0xFFFF;
	s2 =	simm.s32 @!p0 $0x1C05  }
0x129: {  	[timem:s3], [sflag:s2] =	dma.local @!p0 [hbm:s0], s1  }
0x12a: {  	s0 =	simm.s32 @!p0 $0x5  }
0x12b: {  	_ =	swait.ge @!p0 [sflag:s0], s1  }
0x12c: {  	s1 =	ssub.s32 @!p0 $0x0, s1;
	[sflag:s0] =	ssyncset.done @!p0 $0x0  }
0x12d: {  	[sflag:s0] =	ssyncadd.s32 @!p0 s1  }
0x12e: {  	[bflag:$0x3] =	sbarrier.arrive $0xFFFF  }
0x12f: {  	_ =	shalt  }

</sc_bundles>
